<compile_context>
chip_gen: v7x
topology: tpu7x:2x2x1
jax: 0.10.2.dev20260603
libtpu: 0.0.44.dev20260713+nightly
codegen_flags: <defaults>
</compile_context>

<pallas_src>
import functools

import jax
import jax.numpy as jnp
from jax import lax
from jax.experimental import pallas as pl
from jax.experimental.pallas import tpu as pltpu
from jax.experimental.pallas import tpu_sc as plsc

N_TOK = 5
N_CLIENTS = 1000
VOCAB_SIZE = 100000
D = 128
B = 1024
S = 200
MAIN = S - N_TOK

NC = 2
NS = 16
NW = NC * NS
B_PER_W = B // NW


def _sample_body(a_ref, v_ref, n_ref, o_ref):
    o_ref[...] = a_ref[...] + v_ref[...] * n_ref[...]


def _sample_table(avgs2d, vars2d, noise2d):
    rows = N_CLIENTS * N_TOK
    blk = rows // 5
    return pl.pallas_call(
        _sample_body,
        out_shape=jax.ShapeDtypeStruct((rows, D), jnp.float32),
        grid=(5,),
        in_specs=[pl.BlockSpec((blk, D), lambda i: (i, 0))] * 3,
        out_specs=pl.BlockSpec((blk, D), lambda i: (i, 0)),
    )(avgs2d, vars2d, noise2d)


def _sc_gather(idx_main, idx_pref, wte, pref):
    mesh = plsc.VectorSubcoreMesh(core_axis_name="c", subcore_axis_name="s")

    @functools.partial(
        pl.kernel,
        out_type=jax.ShapeDtypeStruct((B, S, D), jnp.float32),
        mesh=mesh,
        scratch_types=[
            pltpu.VMEM((B_PER_W * S,), jnp.int32),
            pltpu.VMEM((B_PER_W * 8,), jnp.int32),
            pltpu.VMEM((S, D), jnp.float32),
            pltpu.VMEM((S, D), jnp.float32),
            pltpu.VMEM((S, D), jnp.float32),
            pltpu.VMEM((S, D), jnp.float32),
            pltpu.SemaphoreType.DMA,
            pltpu.SemaphoreType.DMA,
            pltpu.SemaphoreType.DMA,
            pltpu.SemaphoreType.DMA,
            pltpu.SemaphoreType.DMA,
            pltpu.SemaphoreType.DMA,
            pltpu.SemaphoreType.DMA,
            pltpu.SemaphoreType.DMA,
        ],
    )
    def k(idx_main_hbm, idx_pref_hbm, wte_hbm, pref_hbm, out_hbm,
          idx_m_v, idx_p_v, rows0, rows1, rows2, rows3,
          sg0, sg1, sg2, sg3, sw0, sw1, sw2, sw3):
        wid = lax.axis_index("s") * NC + lax.axis_index("c")
        base = wid * B_PER_W
        rows = (rows0, rows1, rows2, rows3)
        sg = (sg0, sg1, sg2, sg3)
        sw = (sw0, sw1, sw2, sw3)

        pltpu.sync_copy(idx_main_hbm.at[pl.ds(base * S, B_PER_W * S)], idx_m_v)
        pltpu.sync_copy(idx_pref_hbm.at[pl.ds(base * 8, B_PER_W * 8)], idx_p_v)

        def start_gather(i, s):
            pltpu.async_copy(
                wte_hbm.at[idx_m_v.at[pl.ds(i * S, MAIN)]],
                rows[s].at[pl.ds(0, MAIN)], sg[s])
            pltpu.async_copy(
                pref_hbm.at[idx_p_v.at[pl.ds(i * 8, N_TOK)]],
                rows[s].at[pl.ds(MAIN, N_TOK)], sg[s])

        def wait_gather(i, s):
            pltpu.make_async_copy(out_hbm.at[base + i], rows[s], sg[s]).wait()

        def start_write(i, s):
            pltpu.async_copy(rows[s], out_hbm.at[base + i], sw[s])

        def wait_write(i, s):
            pltpu.make_async_copy(rows[s], out_hbm.at[base + i], sw[s]).wait()

        start_gather(0, 0)
        start_gather(1, 1)

        def group_body(g, _):
            for s in range(4):
                i = 4 * g + s
                sl2 = (s + 2) % 4

                @pl.when(i >= 2)
                def _():
                    wait_write(i - 2, sl2)

                @pl.when(i + 2 < B_PER_W)
                def _():
                    start_gather(i + 2, sl2)

                wait_gather(i, s)
                start_write(i, s)
            return ()

        lax.fori_loop(0, B_PER_W // 4, group_body, ())
        wait_write(B_PER_W - 2, 2)
        wait_write(B_PER_W - 1, 3)

    return k(idx_main, idx_pref, wte, pref)


@jax.jit
def kernel(tokens, wte_weight, avgs, vars_):
    noise = jax.random.normal(jax.random.key(42), avgs.shape, dtype=jnp.float32)
    rows = N_CLIENTS * N_TOK
    sample = _sample_table(avgs.reshape(rows, D), vars_.reshape(rows, D),
                           noise.reshape(rows, D))

    cid = tokens[:, 0]
    pbase = ((cid + N_CLIENTS - 1) % N_CLIENTS) * N_TOK
    idx_pref = pbase[:, None] + jnp.arange(8, dtype=jnp.int32)[None, :]
    idx_pref = jnp.minimum(idx_pref, rows - 1).astype(jnp.int32)
    idx_main = jnp.concatenate(
        [tokens[:, N_TOK:], jnp.zeros((B, N_TOK), jnp.int32)], axis=1)

    return _sc_gather(idx_main.reshape(-1), idx_pref.reshape(-1),
                      wte_weight, sample)

# --- scband reference (transcript-rebuilt; emitter-appended) ---
"""Pipeline reference for scband-soft-client-embedding-gaussian-16003048145472 (READ-ONLY COPY).

The authoritative reference and input builder live on the scoring server;
editing this copy changes nothing except your own understanding.
"""

import jax, jax.numpy as jnp
import numpy as np

N_TOKENS = 5
NUM_CLIENTS = 1000
VOCAB = 100000
EMBED_DIM = 128
BATCH = 1024
SEQ = 200


def setup_inputs(seed: int = 0) -> dict:
    key = jax.random.key(seed)
    k1, k2, k3 = jax.random.split(key, 3)
    # tokens[:, 0] is the client id (1-indexed in the original module);
    # values drawn in [0, NUM_CLIENTS) are also valid wte vocab ids since NUM_CLIENTS <= VOCAB.
    tokens = jax.random.randint(k1, (BATCH, SEQ), 0, NUM_CLIENTS, dtype=jnp.int32)
    # learned embedding table (wte.weight)
    wte_weight = jax.random.normal(k2, (VOCAB, EMBED_DIM), dtype=jnp.float32) * 0.02
    # per-client gaussian prefix parameters: avgs stacked, vars = ones scaled by 0.2
    # (small_std_ratio=1 means every client's std gets the 0.2 factor)
    avgs = jax.random.normal(k3, (NUM_CLIENTS, N_TOKENS, EMBED_DIM), dtype=jnp.float32)
    vars_ = 0.2 * jnp.ones((NUM_CLIENTS, N_TOKENS, EMBED_DIM), dtype=jnp.float32)
    return {"tokens": tokens, "wte_weight": wte_weight, "avgs": avgs, "vars_": vars_}


def reference(tokens, wte_weight, avgs, vars_):
    # input_embedding = self.wte(tokens[:, self.n_tokens:])
    input_embedding = jnp.take(wte_weight, tokens[:, N_TOKENS:], axis=0)
    # client_idx = tokens[:, 0]
    client_idx = tokens[:, 0]
    # sample_prefix = torch.normal(mean=self.avgs, std=self.vars)
    noise = jax.random.normal(jax.random.key(42), avgs.shape, dtype=jnp.float32)
    sample_prefix = avgs + vars_ * noise
    # prefix = sample_prefix[client_idx - 1]  (negative index -1 wraps, matching torch)
    prefix = sample_prefix[client_idx - 1]
    # fp16=False, so no bfloat16 cast
    return jnp.concatenate([input_embedding, prefix], axis=1)

if __name__ == "__main__":
    import jax
    _d = setup_inputs()
    print(jax.jit(kernel)(*tuple(_d.values())))

</pallas_src>

<mosaic_0001>
#map = affine_map<(d0, d1) -> (0)>
#map1 = affine_map<(d0, d1) -> (0, 0)>
#map2 = affine_map<(d0, d1) -> (0, 0, 0)>
module attributes {stable_mosaic.version = 14 : i64} {
  func.func @k(%arg0: i32, %arg1: i32, %arg2: memref<204800xi32, #tpu.memory_space<hbm>>, %arg3: memref<8192xi32, #tpu.memory_space<hbm>>, %arg4: memref<100000x128xf32, #tpu.memory_space<hbm>>, %arg5: memref<5000x128xf32, #tpu.memory_space<hbm>>, %arg6: memref<1024x200x128xf32, #tpu.memory_space<hbm>>, %arg7: memref<6400xi32, #tpu.memory_space<vmem>>, %arg8: memref<256xi32, #tpu.memory_space<vmem>>, %arg9: memref<200x128xf32, #tpu.memory_space<vmem>>, %arg10: memref<200x128xf32, #tpu.memory_space<vmem>>, %arg11: memref<200x128xf32, #tpu.memory_space<vmem>>, %arg12: memref<200x128xf32, #tpu.memory_space<vmem>>, %arg13: memref<!tpu.dma_semaphore, #tpu.memory_space<semaphore_mem>>, %arg14: memref<!tpu.dma_semaphore, #tpu.memory_space<semaphore_mem>>, %arg15: memref<!tpu.dma_semaphore, #tpu.memory_space<semaphore_mem>>, %arg16: memref<!tpu.dma_semaphore, #tpu.memory_space<semaphore_mem>>, %arg17: memref<!tpu.dma_semaphore, #tpu.memory_space<semaphore_mem>>, %arg18: memref<!tpu.dma_semaphore, #tpu.memory_space<semaphore_mem>>, %arg19: memref<!tpu.dma_semaphore, #tpu.memory_space<semaphore_mem>>, %arg20: memref<!tpu.dma_semaphore, #tpu.memory_space<semaphore_mem>>) attributes {dimension_semantics = [#tpu.dimension_semantics<core_parallel>, #tpu.dimension_semantics<subcore_parallel>], iteration_bounds = array<i64: 2, 16>, scalar_prefetch = 0 : i64, scratch_operands = 14 : i64, tpu.core_type = #tpu.core_type<sc_vector_subcore>, window_params = [{transform_indices = #map}, {transform_indices = #map}, {transform_indices = #map1}, {transform_indices = #map1}, {transform_indices = #map2}]} {
    %mul3A = arith.constant 2 : i32
    %mul3A_0 = arith.muli %arg1, %mul3A : i32
    %add3A = arith.addi %mul3A_0, %arg0 : i32
    %mul3A_1 = arith.constant 32 : i32
    %mul3A_2 = arith.muli %add3A, %mul3A_1 : i32
    %mul3A_3 = arith.constant 200 : i32
    %mul3A_4 = arith.muli %mul3A_2, %mul3A_3 : i32
    "tpu.region"() ({
      %run_scoped3A = tpu.sem_alloc : memref<!tpu.dma_semaphore, #tpu.memory_space<semaphore_mem>>
      %dma_start3A_61 = tpu.memref_slice %arg2[%mul3A_4] : memref<204800xi32, #tpu.memory_space<hbm>> -> memref<6400xi32, #tpu.memory_space<hbm>>
      %dma_start3A_62 = tpu.memref_slice %arg2[%mul3A_4] : memref<204800xi32, #tpu.memory_space<hbm>> -> memref<6400xi32, #tpu.memory_space<hbm>>
      tpu.enqueue_dma source(%dma_start3A_62 : memref<6400xi32, #tpu.memory_space<hbm>>) target(%arg7 : memref<6400xi32, #tpu.memory_space<vmem>>) target_semaphore(%run_scoped3A : memref<!tpu.dma_semaphore, #tpu.memory_space<semaphore_mem>>)
      %dma_wait3A_63 = tpu.memref_slice %arg2[%mul3A_4] : memref<204800xi32, #tpu.memory_space<hbm>> -> memref<6400xi32, #tpu.memory_space<hbm>>
      %dma_wait3A_64 = tpu.memref_slice %arg2[%mul3A_4] : memref<204800xi32, #tpu.memory_space<hbm>> -> memref<6400xi32, #tpu.memory_space<hbm>>
      tpu.wait_dma2 semaphore(%run_scoped3A : memref<!tpu.dma_semaphore, #tpu.memory_space<semaphore_mem>>) src(%dma_wait3A_64 : memref<6400xi32, #tpu.memory_space<hbm>>) dst(%arg7 : memref<6400xi32, #tpu.memory_space<vmem>>)
      tpu.yield
    }) : () -> ()
    %mul3A_5 = arith.constant 8 : i32
    %mul3A_6 = arith.muli %mul3A_2, %mul3A_5 : i32
    "tpu.region"() ({
      %run_scoped3A = tpu.sem_alloc : memref<!tpu.dma_semaphore, #tpu.memory_space<semaphore_mem>>
      %dma_start3A_61 = tpu.memref_slice %arg3[%mul3A_6] : memref<8192xi32, #tpu.memory_space<hbm>> -> memref<256xi32, #tpu.memory_space<hbm>>
      %dma_start3A_62 = tpu.memref_slice %arg3[%mul3A_6] : memref<8192xi32, #tpu.memory_space<hbm>> -> memref<256xi32, #tpu.memory_space<hbm>>
      tpu.enqueue_dma source(%dma_start3A_62 : memref<256xi32, #tpu.memory_space<hbm>>) target(%arg8 : memref<256xi32, #tpu.memory_space<vmem>>) target_semaphore(%run_scoped3A : memref<!tpu.dma_semaphore, #tpu.memory_space<semaphore_mem>>)
      %dma_wait3A_63 = tpu.memref_slice %arg3[%mul3A_6] : memref<8192xi32, #tpu.memory_space<hbm>> -> memref<256xi32, #tpu.memory_space<hbm>>
      %dma_wait3A_64 = tpu.memref_slice %arg3[%mul3A_6] : memref<8192xi32, #tpu.memory_space<hbm>> -> memref<256xi32, #tpu.memory_space<hbm>>
      tpu.wait_dma2 semaphore(%run_scoped3A : memref<!tpu.dma_semaphore, #tpu.memory_space<semaphore_mem>>) src(%dma_wait3A_64 : memref<256xi32, #tpu.memory_space<hbm>>) dst(%arg8 : memref<256xi32, #tpu.memory_space<vmem>>)
      tpu.yield
    }) : () -> ()
    %dma_start3A = arith.constant 0 : i32
    %dma_start3A_7 = arith.constant 0 : i32
    %dma_start3A_8 = tpu.memref_slice %arg9[%dma_start3A, %dma_start3A_7] : memref<200x128xf32, #tpu.memory_space<vmem>> -> memref<195x128xf32, #tpu.memory_space<vmem>>
    %dma_start3A_9 = arith.constant 0 : i32
    %dma_start3A_10 = tpu.memref_slice %arg7[%dma_start3A_9] : memref<6400xi32, #tpu.memory_space<vmem>> -> memref<195xi32, #tpu.memory_space<vmem>>
    %dma_start3A_11 = arith.constant 0 : i32
    %dma_start3A_12 = arith.constant 0 : i32
    %dma_start3A_13 = tpu.memref_slice %arg4[%dma_start3A_11, %dma_start3A_12] : memref<100000x128xf32, #tpu.memory_space<hbm>> -> memref<100000x128xf32, #tpu.memory_space<hbm>>
    tpu.enqueue_indirect_dma source(%dma_start3A_13 : memref<100000x128xf32, #tpu.memory_space<hbm>>) target(%dma_start3A_8 : memref<195x128xf32, #tpu.memory_space<vmem>>) offsets(%dma_start3A_10 : memref<195xi32, #tpu.memory_space<vmem>>) semaphore(%arg13 : memref<!tpu.dma_semaphore, #tpu.memory_space<semaphore_mem>>)
    %dma_start3A_14 = arith.constant 195 : i32
    %dma_start3A_15 = arith.constant 0 : i32
    %dma_start3A_16 = tpu.memref_slice %arg9[%dma_start3A_14, %dma_start3A_15] : memref<200x128xf32, #tpu.memory_space<vmem>> -> memref<5x128xf32, #tpu.memory_space<vmem>>
    %dma_start3A_17 = arith.constant 0 : i32
    %dma_start3A_18 = tpu.memref_slice %arg8[%dma_start3A_17] : memref<256xi32, #tpu.memory_space<vmem>> -> memref<5xi32, #tpu.memory_space<vmem>>
    %dma_start3A_19 = arith.constant 0 : i32
    %dma_start3A_20 = arith.constant 0 : i32
    %dma_start3A_21 = tpu.memref_slice %arg5[%dma_start3A_19, %dma_start3A_20] : memref<5000x128xf32, #tpu.memory_space<hbm>> -> memref<5000x128xf32, #tpu.memory_space<hbm>>
    tpu.enqueue_indirect_dma source(%dma_start3A_21 : memref<5000x128xf32, #tpu.memory_space<hbm>>) target(%dma_start3A_16 : memref<5x128xf32, #tpu.memory_space<vmem>>) offsets(%dma_start3A_18 : memref<5xi32, #tpu.memory_space<vmem>>) semaphore(%arg13 : memref<!tpu.dma_semaphore, #tpu.memory_space<semaphore_mem>>)
    %dma_start3A_22 = arith.constant 0 : i32
    %dma_start3A_23 = arith.constant 0 : i32
    %dma_start3A_24 = tpu.memref_slice %arg10[%dma_start3A_22, %dma_start3A_23] : memref<200x128xf32, #tpu.memory_space<vmem>> -> memref<195x128xf32, #tpu.memory_space<vmem>>
    %dma_start3A_25 = arith.constant 200 : i32
    %dma_start3A_26 = tpu.memref_slice %arg7[%dma_start3A_25] : memref<6400xi32, #tpu.memory_space<vmem>> -> memref<195xi32, #tpu.memory_space<vmem>>
    %dma_start3A_27 = arith.constant 0 : i32
    %dma_start3A_28 = arith.constant 0 : i32
    %dma_start3A_29 = tpu.memref_slice %arg4[%dma_start3A_27, %dma_start3A_28] : memref<100000x128xf32, #tpu.memory_space<hbm>> -> memref<100000x128xf32, #tpu.memory_space<hbm>>
    tpu.enqueue_indirect_dma source(%dma_start3A_29 : memref<100000x128xf32, #tpu.memory_space<hbm>>) target(%dma_start3A_24 : memref<195x128xf32, #tpu.memory_space<vmem>>) offsets(%dma_start3A_26 : memref<195xi32, #tpu.memory_space<vmem>>) semaphore(%arg14 : memref<!tpu.dma_semaphore, #tpu.memory_space<semaphore_mem>>)
    %dma_start3A_30 = arith.constant 195 : i32
    %dma_start3A_31 = arith.constant 0 : i32
    %dma_start3A_32 = tpu.memref_slice %arg10[%dma_start3A_30, %dma_start3A_31] : memref<200x128xf32, #tpu.memory_space<vmem>> -> memref<5x128xf32, #tpu.memory_space<vmem>>
    %dma_start3A_33 = arith.constant 8 : i32
    %dma_start3A_34 = tpu.memref_slice %arg8[%dma_start3A_33] : memref<256xi32, #tpu.memory_space<vmem>> -> memref<5xi32, #tpu.memory_space<vmem>>
    %dma_start3A_35 = arith.constant 0 : i32
    %dma_start3A_36 = arith.constant 0 : i32
    %dma_start3A_37 = tpu.memref_slice %arg5[%dma_start3A_35, %dma_start3A_36] : memref<5000x128xf32, #tpu.memory_space<hbm>> -> memref<5000x128xf32, #tpu.memory_space<hbm>>
    tpu.enqueue_indirect_dma source(%dma_start3A_37 : memref<5000x128xf32, #tpu.memory_space<hbm>>) target(%dma_start3A_32 : memref<5x128xf32, #tpu.memory_space<vmem>>) offsets(%dma_start3A_34 : memref<5xi32, #tpu.memory_space<vmem>>) semaphore(%arg14 : memref<!tpu.dma_semaphore, #tpu.memory_space<semaphore_mem>>)
    %scan3A = arith.constant 0 : i32
    %scan3A_38 = arith.constant 8 : i32
    %scan3A_39 = arith.addi %scan3A, %scan3A_38 : i32
    %scan3A_40 = arith.constant 1 : i32
    scf.for %scan3A_61 = %scan3A to %scan3A_39 step %scan3A_40  : i32 {
      %mul3A_62 = arith.constant 4 : i32
      %mul3A_63 = arith.muli %mul3A_62, %scan3A_61 : i32
      %add3A_64 = arith.constant 0 : i32
      %add3A_65 = arith.addi %mul3A_63, %add3A_64 : i32
      %ge3A = arith.constant 2 : i32
      %ge3A_66 = arith.cmpi sge, %add3A_65, %ge3A : i32
      %convert_element_type3A = arith.extui %ge3A_66 : i1 to i32
      %cond3A = arith.constant 0 : i32
      %cond3A_67 = arith.cmpi ne, %convert_element_type3A, %cond3A : i32
      scf.if %cond3A_67 {
        %sub3A = arith.constant 2 : i32
        %sub3A_194 = arith.subi %add3A_65, %sub3A : i32
        %add3A_195 = arith.addi %mul3A_2, %sub3A_194 : i32
        %dma_wait3A_196 = arith.constant 0 : i32
        %dma_wait3A_197 = arith.constant 0 : i32
        %dma_wait3A_198 = tpu.memref_slice %arg6[%add3A_195, %dma_wait3A_196, %dma_wait3A_197] : memref<1024x200x128xf32, #tpu.memory_space<hbm>> -> memref<1x200x128xf32, #tpu.memory_space<hbm>>
        %dma_wait3A_199 = tpu.memref_squeeze %dma_wait3A_198 : memref<1x200x128xf32, #tpu.memory_space<hbm>> -> memref<200x128xf32, #tpu.memory_space<hbm>>
        %dma_wait3A_200 = arith.constant 0 : i32
        %dma_wait3A_201 = arith.constant 0 : i32
        %dma_wait3A_202 = tpu.memref_slice %arg6[%add3A_195, %dma_wait3A_200, %dma_wait3A_201] : memref<1024x200x128xf32, #tpu.memory_space<hbm>> -> memref<1x200x128xf32, #tpu.memory_space<hbm>>
        %dma_wait3A_203 = tpu.memref_squeeze %dma_wait3A_202 : memref<1x200x128xf32, #tpu.memory_space<hbm>> -> memref<200x128xf32, #tpu.memory_space<hbm>>
        tpu.wait_dma2 semaphore(%arg19 : memref<!tpu.dma_semaphore, #tpu.memory_space<semaphore_mem>>) src(%arg11 : memref<200x128xf32, #tpu.memory_space<vmem>>) dst(%dma_wait3A_203 : memref<200x128xf32, #tpu.memory_space<hbm>>)
      } else {
      }
      %add3A_68 = arith.constant 2 : i32
      %add3A_69 = arith.addi %add3A_65, %add3A_68 : i32
      %lt3A = arith.constant 32 : i32
      %lt3A_70 = arith.cmpi slt, %add3A_69, %lt3A : i32
      %convert_element_type3A_71 = arith.extui %lt3A_70 : i1 to i32
      %cond3A_72 = arith.constant 0 : i32
      %cond3A_73 = arith.cmpi ne, %convert_element_type3A_71, %cond3A_72 : i32
      scf.if %cond3A_73 {
        %add3A_194 = arith.constant 2 : i32
        %add3A_195 = arith.addi %add3A_65, %add3A_194 : i32
        %mul3A_196 = arith.constant 200 : i32
        %mul3A_197 = arith.muli %add3A_195, %mul3A_196 : i32
        %dma_start3A_198 = arith.constant 0 : i32
        %dma_start3A_199 = arith.constant 0 : i32
        %dma_start3A_200 = tpu.memref_slice %arg11[%dma_start3A_198, %dma_start3A_199] : memref<200x128xf32, #tpu.memory_space<vmem>> -> memref<195x128xf32, #tpu.memory_space<vmem>>
        %dma_start3A_201 = tpu.memref_slice %arg7[%mul3A_197] : memref<6400xi32, #tpu.memory_space<vmem>> -> memref<195xi32, #tpu.memory_space<vmem>>
        %dma_start3A_202 = arith.constant 0 : i32
        %dma_start3A_203 = arith.constant 0 : i32
        %dma_start3A_204 = tpu.memref_slice %arg4[%dma_start3A_202, %dma_start3A_203] : memref<100000x128xf32, #tpu.memory_space<hbm>> -> memref<100000x128xf32, #tpu.memory_space<hbm>>
        tpu.enqueue_indirect_dma source(%dma_start3A_204 : memref<100000x128xf32, #tpu.memory_space<hbm>>) target(%dma_start3A_200 : memref<195x128xf32, #tpu.memory_space<vmem>>) offsets(%dma_start3A_201 : memref<195xi32, #tpu.memory_space<vmem>>) semaphore(%arg15 : memref<!tpu.dma_semaphore, #tpu.memory_space<semaphore_mem>>)
        %mul3A_205 = arith.constant 8 : i32
        %mul3A_206 = arith.muli %add3A_195, %mul3A_205 : i32
        %dma_start3A_207 = arith.constant 195 : i32
        %dma_start3A_208 = arith.constant 0 : i32
        %dma_start3A_209 = tpu.memref_slice %arg11[%dma_start3A_207, %dma_start3A_208] : memref<200x128xf32, #tpu.memory_space<vmem>> -> memref<5x128xf32, #tpu.memory_space<vmem>>
        %dma_start3A_210 = tpu.memref_slice %arg8[%mul3A_206] : memref<256xi32, #tpu.memory_space<vmem>> -> memref<5xi32, #tpu.memory_space<vmem>>
        %dma_start3A_211 = arith.constant 0 : i32
        %dma_start3A_212 = arith.constant 0 : i32
        %dma_start3A_213 = tpu.memref_slice %arg5[%dma_start3A_211, %dma_start3A_212] : memref<5000x128xf32, #tpu.memory_space<hbm>> -> memref<5000x128xf32, #tpu.memory_space<hbm>>
        tpu.enqueue_indirect_dma source(%dma_start3A_213 : memref<5000x128xf32, #tpu.memory_space<hbm>>) target(%dma_start3A_209 : memref<5x128xf32, #tpu.memory_space<vmem>>) offsets(%dma_start3A_210 : memref<5xi32, #tpu.memory_space<vmem>>) semaphore(%arg15 : memref<!tpu.dma_semaphore, #tpu.memory_space<semaphore_mem>>)
      } else {
      }
      %add3A_74 = arith.addi %mul3A_2, %add3A_65 : i32
      %dma_wait3A_75 = arith.constant 0 : i32
      %dma_wait3A_76 = arith.constant 0 : i32
      %dma_wait3A_77 = tpu.memref_slice %arg6[%add3A_74, %dma_wait3A_75, %dma_wait3A_76] : memref<1024x200x128xf32, #tpu.memory_space<hbm>> -> memref<1x200x128xf32, #tpu.memory_space<hbm>>
      %dma_wait3A_78 = tpu.memref_squeeze %dma_wait3A_77 : memref<1x200x128xf32, #tpu.memory_space<hbm>> -> memref<200x128xf32, #tpu.memory_space<hbm>>
      %dma_wait3A_79 = arith.constant 0 : i32
      %dma_wait3A_80 = arith.constant 0 : i32
      %dma_wait3A_81 = tpu.memref_slice %arg6[%add3A_74, %dma_wait3A_79, %dma_wait3A_80] : memref<1024x200x128xf32, #tpu.memory_space<hbm>> -> memref<1x200x128xf32, #tpu.memory_space<hbm>>
      %dma_wait3A_82 = tpu.memref_squeeze %dma_wait3A_81 : memref<1x200x128xf32, #tpu.memory_space<hbm>> -> memref<200x128xf32, #tpu.memory_space<hbm>>
      tpu.wait_dma2 semaphore(%arg13 : memref<!tpu.dma_semaphore, #tpu.memory_space<semaphore_mem>>) src(%dma_wait3A_82 : memref<200x128xf32, #tpu.memory_space<hbm>>) dst(%arg9 : memref<200x128xf32, #tpu.memory_space<vmem>>)
      %add3A_83 = arith.addi %mul3A_2, %add3A_65 : i32
      %dma_start3A_84 = arith.constant 0 : i32
      %dma_start3A_85 = arith.constant 0 : i32
      %dma_start3A_86 = tpu.memref_slice %arg6[%add3A_83, %dma_start3A_84, %dma_start3A_85] : memref<1024x200x128xf32, #tpu.memory_space<hbm>> -> memref<1x200x128xf32, #tpu.memory_space<hbm>>
      %dma_start3A_87 = tpu.memref_squeeze %dma_start3A_86 : memref<1x200x128xf32, #tpu.memory_space<hbm>> -> memref<200x128xf32, #tpu.memory_space<hbm>>
      %dma_start3A_88 = arith.constant 0 : i32
      %dma_start3A_89 = arith.constant 0 : i32
      %dma_start3A_90 = tpu.memref_slice %arg6[%add3A_83, %dma_start3A_88, %dma_start3A_89] : memref<1024x200x128xf32, #tpu.memory_space<hbm>> -> memref<1x200x128xf32, #tpu.memory_space<hbm>>
      %dma_start3A_91 = tpu.memref_squeeze %dma_start3A_90 : memref<1x200x128xf32, #tpu.memory_space<hbm>> -> memref<200x128xf32, #tpu.memory_space<hbm>>
      tpu.enqueue_dma source(%arg9 : memref<200x128xf32, #tpu.memory_space<vmem>>) target(%dma_start3A_91 : memref<200x128xf32, #tpu.memory_space<hbm>>) target_semaphore(%arg17 : memref<!tpu.dma_semaphore, #tpu.memory_space<semaphore_mem>>)
      %mul3A_92 = arith.constant 4 : i32
      %mul3A_93 = arith.muli %mul3A_92, %scan3A_61 : i32
      %add3A_94 = arith.constant 1 : i32
      %add3A_95 = arith.addi %mul3A_93, %add3A_94 : i32
      %ge3A_96 = arith.constant 2 : i32
      %ge3A_97 = arith.cmpi sge, %add3A_95, %ge3A_96 : i32
      %convert_element_type3A_98 = arith.extui %ge3A_97 : i1 to i32
      %cond3A_99 = arith.constant 0 : i32
      %cond3A_100 = arith.cmpi ne, %convert_element_type3A_98, %cond3A_99 : i32
      scf.if %cond3A_100 {
        %sub3A = arith.constant 2 : i32
        %sub3A_194 = arith.subi %add3A_95, %sub3A : i32
        %add3A_195 = arith.addi %mul3A_2, %sub3A_194 : i32
        %dma_wait3A_196 = arith.constant 0 : i32
        %dma_wait3A_197 = arith.constant 0 : i32
        %dma_wait3A_198 = tpu.memref_slice %arg6[%add3A_195, %dma_wait3A_196, %dma_wait3A_197] : memref<1024x200x128xf32, #tpu.memory_space<hbm>> -> memref<1x200x128xf32, #tpu.memory_space<hbm>>
        %dma_wait3A_199 = tpu.memref_squeeze %dma_wait3A_198 : memref<1x200x128xf32, #tpu.memory_space<hbm>> -> memref<200x128xf32, #tpu.memory_space<hbm>>
        %dma_wait3A_200 = arith.constant 0 : i32
        %dma_wait3A_201 = arith.constant 0 : i32
        %dma_wait3A_202 = tpu.memref_slice %arg6[%add3A_195, %dma_wait3A_200, %dma_wait3A_201] : memref<1024x200x128xf32, #tpu.memory_space<hbm>> -> memref<1x200x128xf32, #tpu.memory_space<hbm>>
        %dma_wait3A_203 = tpu.memref_squeeze %dma_wait3A_202 : memref<1x200x128xf32, #tpu.memory_space<hbm>> -> memref<200x128xf32, #tpu.memory_space<hbm>>
        tpu.wait_dma2 semaphore(%arg20 : memref<!tpu.dma_semaphore, #tpu.memory_space<semaphore_mem>>) src(%arg12 : memref<200x128xf32, #tpu.memory_space<vmem>>) dst(%dma_wait3A_203 : memref<200x128xf32, #tpu.memory_space<hbm>>)
      } else {
      }
      %add3A_101 = arith.constant 2 : i32
      %add3A_102 = arith.addi %add3A_95, %add3A_101 : i32
      %lt3A_103 = arith.constant 32 : i32
      %lt3A_104 = arith.cmpi slt, %add3A_102, %lt3A_103 : i32
      %convert_element_type3A_105 = arith.extui %lt3A_104 : i1 to i32
      %cond3A_106 = arith.constant 0 : i32
      %cond3A_107 = arith.cmpi ne, %convert_element_type3A_105, %cond3A_106 : i32
      scf.if %cond3A_107 {
        %add3A_194 = arith.constant 2 : i32
        %add3A_195 = arith.addi %add3A_95, %add3A_194 : i32
        %mul3A_196 = arith.constant 200 : i32
        %mul3A_197 = arith.muli %add3A_195, %mul3A_196 : i32
        %dma_start3A_198 = arith.constant 0 : i32
        %dma_start3A_199 = arith.constant 0 : i32
        %dma_start3A_200 = tpu.memref_slice %arg12[%dma_start3A_198, %dma_start3A_199] : memref<200x128xf32, #tpu.memory_space<vmem>> -> memref<195x128xf32, #tpu.memory_space<vmem>>
        %dma_start3A_201 = tpu.memref_slice %arg7[%mul3A_197] : memref<6400xi32, #tpu.memory_space<vmem>> -> memref<195xi32, #tpu.memory_space<vmem>>
        %dma_start3A_202 = arith.constant 0 : i32
        %dma_start3A_203 = arith.constant 0 : i32
        %dma_start3A_204 = tpu.memref_slice %arg4[%dma_start3A_202, %dma_start3A_203] : memref<100000x128xf32, #tpu.memory_space<hbm>> -> memref<100000x128xf32, #tpu.memory_space<hbm>>
        tpu.enqueue_indirect_dma source(%dma_start3A_204 : memref<100000x128xf32, #tpu.memory_space<hbm>>) target(%dma_start3A_200 : memref<195x128xf32, #tpu.memory_space<vmem>>) offsets(%dma_start3A_201 : memref<195xi32, #tpu.memory_space<vmem>>) semaphore(%arg16 : memref<!tpu.dma_semaphore, #tpu.memory_space<semaphore_mem>>)
        %mul3A_205 = arith.constant 8 : i32
        %mul3A_206 = arith.muli %add3A_195, %mul3A_205 : i32
        %dma_start3A_207 = arith.constant 195 : i32
        %dma_start3A_208 = arith.constant 0 : i32
        %dma_start3A_209 = tpu.memref_slice %arg12[%dma_start3A_207, %dma_start3A_208] : memref<200x128xf32, #tpu.memory_space<vmem>> -> memref<5x128xf32, #tpu.memory_space<vmem>>
        %dma_start3A_210 = tpu.memref_slice %arg8[%mul3A_206] : memref<256xi32, #tpu.memory_space<vmem>> -> memref<5xi32, #tpu.memory_space<vmem>>
        %dma_start3A_211 = arith.constant 0 : i32
        %dma_start3A_212 = arith.constant 0 : i32
        %dma_start3A_213 = tpu.memref_slice %arg5[%dma_start3A_211, %dma_start3A_212] : memref<5000x128xf32, #tpu.memory_space<hbm>> -> memref<5000x128xf32, #tpu.memory_space<hbm>>
        tpu.enqueue_indirect_dma source(%dma_start3A_213 : memref<5000x128xf32, #tpu.memory_space<hbm>>) target(%dma_start3A_209 : memref<5x128xf32, #tpu.memory_space<vmem>>) offsets(%dma_start3A_210 : memref<5xi32, #tpu.memory_space<vmem>>) semaphore(%arg16 : memref<!tpu.dma_semaphore, #tpu.memory_space<semaphore_mem>>)
      } else {
      }
      %add3A_108 = arith.addi %mul3A_2, %add3A_95 : i32
      %dma_wait3A_109 = arith.constant 0 : i32
      %dma_wait3A_110 = arith.constant 0 : i32
      %dma_wait3A_111 = tpu.memref_slice %arg6[%add3A_108, %dma_wait3A_109, %dma_wait3A_110] : memref<1024x200x128xf32, #tpu.memory_space<hbm>> -> memref<1x200x128xf32, #tpu.memory_space<hbm>>
      %dma_wait3A_112 = tpu.memref_squeeze %dma_wait3A_111 : memref<1x200x128xf32, #tpu.memory_space<hbm>> -> memref<200x128xf32, #tpu.memory_space<hbm>>
      %dma_wait3A_113 = arith.constant 0 : i32
      %dma_wait3A_114 = arith.constant 0 : i32
      %dma_wait3A_115 = tpu.memref_slice %arg6[%add3A_108, %dma_wait3A_113, %dma_wait3A_114] : memref<1024x200x128xf32, #tpu.memory_space<hbm>> -> memref<1x200x128xf32, #tpu.memory_space<hbm>>
      %dma_wait3A_116 = tpu.memref_squeeze %dma_wait3A_115 : memref<1x200x128xf32, #tpu.memory_space<hbm>> -> memref<200x128xf32, #tpu.memory_space<hbm>>
      tpu.wait_dma2 semaphore(%arg14 : memref<!tpu.dma_semaphore, #tpu.memory_space<semaphore_mem>>) src(%dma_wait3A_116 : memref<200x128xf32, #tpu.memory_space<hbm>>) dst(%arg10 : memref<200x128xf32, #tpu.memory_space<vmem>>)
      %add3A_117 = arith.addi %mul3A_2, %add3A_95 : i32
      %dma_start3A_118 = arith.constant 0 : i32
      %dma_start3A_119 = arith.constant 0 : i32
      %dma_start3A_120 = tpu.memref_slice %arg6[%add3A_117, %dma_start3A_118, %dma_start3A_119] : memref<1024x200x128xf32, #tpu.memory_space<hbm>> -> memref<1x200x128xf32, #tpu.memory_space<hbm>>
      %dma_start3A_121 = tpu.memref_squeeze %dma_start3A_120 : memref<1x200x128xf32, #tpu.memory_space<hbm>> -> memref<200x128xf32, #tpu.memory_space<hbm>>
      %dma_start3A_122 = arith.constant 0 : i32
      %dma_start3A_123 = arith.constant 0 : i32
      %dma_start3A_124 = tpu.memref_slice %arg6[%add3A_117, %dma_start3A_122, %dma_start3A_123] : memref<1024x200x128xf32, #tpu.memory_space<hbm>> -> memref<1x200x128xf32, #tpu.memory_space<hbm>>
      %dma_start3A_125 = tpu.memref_squeeze %dma_start3A_124 : memref<1x200x128xf32, #tpu.memory_space<hbm>> -> memref<200x128xf32, #tpu.memory_space<hbm>>
      tpu.enqueue_dma source(%arg10 : memref<200x128xf32, #tpu.memory_space<vmem>>) target(%dma_start3A_125 : memref<200x128xf32, #tpu.memory_space<hbm>>) target_semaphore(%arg18 : memref<!tpu.dma_semaphore, #tpu.memory_space<semaphore_mem>>)
      %mul3A_126 = arith.constant 4 : i32
      %mul3A_127 = arith.muli %mul3A_126, %scan3A_61 : i32
      %add3A_128 = arith.constant 2 : i32
      %add3A_129 = arith.addi %mul3A_127, %add3A_128 : i32
      %ge3A_130 = arith.constant 2 : i32
      %ge3A_131 = arith.cmpi sge, %add3A_129, %ge3A_130 : i32
      %convert_element_type3A_132 = arith.extui %ge3A_131 : i1 to i32
      %cond3A_133 = arith.constant 0 : i32
      %cond3A_134 = arith.cmpi ne, %convert_element_type3A_132, %cond3A_133 : i32
      scf.if %cond3A_134 {
        %sub3A = arith.constant 2 : i32
        %sub3A_194 = arith.subi %add3A_129, %sub3A : i32
        %add3A_195 = arith.addi %mul3A_2, %sub3A_194 : i32
        %dma_wait3A_196 = arith.constant 0 : i32
        %dma_wait3A_197 = arith.constant 0 : i32
        %dma_wait3A_198 = tpu.memref_slice %arg6[%add3A_195, %dma_wait3A_196, %dma_wait3A_197] : memref<1024x200x128xf32, #tpu.memory_space<hbm>> -> memref<1x200x128xf32, #tpu.memory_space<hbm>>
        %dma_wait3A_199 = tpu.memref_squeeze %dma_wait3A_198 : memref<1x200x128xf32, #tpu.memory_space<hbm>> -> memref<200x128xf32, #tpu.memory_space<hbm>>
        %dma_wait3A_200 = arith.constant 0 : i32
        %dma_wait3A_201 = arith.constant 0 : i32
        %dma_wait3A_202 = tpu.memref_slice %arg6[%add3A_195, %dma_wait3A_200, %dma_wait3A_201] : memref<1024x200x128xf32, #tpu.memory_space<hbm>> -> memref<1x200x128xf32, #tpu.memory_space<hbm>>
        %dma_wait3A_203 = tpu.memref_squeeze %dma_wait3A_202 : memref<1x200x128xf32, #tpu.memory_space<hbm>> -> memref<200x128xf32, #tpu.memory_space<hbm>>
        tpu.wait_dma2 semaphore(%arg17 : memref<!tpu.dma_semaphore, #tpu.memory_space<semaphore_mem>>) src(%arg9 : memref<200x128xf32, #tpu.memory_space<vmem>>) dst(%dma_wait3A_203 : memref<200x128xf32, #tpu.memory_space<hbm>>)
      } else {
      }
      %add3A_135 = arith.constant 2 : i32
      %add3A_136 = arith.addi %add3A_129, %add3A_135 : i32
      %lt3A_137 = arith.constant 32 : i32
      %lt3A_138 = arith.cmpi slt, %add3A_136, %lt3A_137 : i32
      %convert_element_type3A_139 = arith.extui %lt3A_138 : i1 to i32
      %cond3A_140 = arith.constant 0 : i32
      %cond3A_141 = arith.cmpi ne, %convert_element_type3A_139, %cond3A_140 : i32
      scf.if %cond3A_141 {
        %add3A_194 = arith.constant 2 : i32
        %add3A_195 = arith.addi %add3A_129, %add3A_194 : i32
        %mul3A_196 = arith.constant 200 : i32
        %mul3A_197 = arith.muli %add3A_195, %mul3A_196 : i32
        %dma_start3A_198 = arith.constant 0 : i32
        %dma_start3A_199 = arith.constant 0 : i32
        %dma_start3A_200 = tpu.memref_slice %arg9[%dma_start3A_198, %dma_start3A_199] : memref<200x128xf32, #tpu.memory_space<vmem>> -> memref<195x128xf32, #tpu.memory_space<vmem>>
        %dma_start3A_201 = tpu.memref_slice %arg7[%mul3A_197] : memref<6400xi32, #tpu.memory_space<vmem>> -> memref<195xi32, #tpu.memory_space<vmem>>
        %dma_start3A_202 = arith.constant 0 : i32
        %dma_start3A_203 = arith.constant 0 : i32
        %dma_start3A_204 = tpu.memref_slice %arg4[%dma_start3A_202, %dma_start3A_203] : memref<100000x128xf32, #tpu.memory_space<hbm>> -> memref<100000x128xf32, #tpu.memory_space<hbm>>
        tpu.enqueue_indirect_dma source(%dma_start3A_204 : memref<100000x128xf32, #tpu.memory_space<hbm>>) target(%dma_start3A_200 : memref<195x128xf32, #tpu.memory_space<vmem>>) offsets(%dma_start3A_201 : memref<195xi32, #tpu.memory_space<vmem>>) semaphore(%arg13 : memref<!tpu.dma_semaphore, #tpu.memory_space<semaphore_mem>>)
        %mul3A_205 = arith.constant 8 : i32
        %mul3A_206 = arith.muli %add3A_195, %mul3A_205 : i32
        %dma_start3A_207 = arith.constant 195 : i32
        %dma_start3A_208 = arith.constant 0 : i32
        %dma_start3A_209 = tpu.memref_slice %arg9[%dma_start3A_207, %dma_start3A_208] : memref<200x128xf32, #tpu.memory_space<vmem>> -> memref<5x128xf32, #tpu.memory_space<vmem>>
        %dma_start3A_210 = tpu.memref_slice %arg8[%mul3A_206] : memref<256xi32, #tpu.memory_space<vmem>> -> memref<5xi32, #tpu.memory_space<vmem>>
        %dma_start3A_211 = arith.constant 0 : i32
        %dma_start3A_212 = arith.constant 0 : i32
        %dma_start3A_213 = tpu.memref_slice %arg5[%dma_start3A_211, %dma_start3A_212] : memref<5000x128xf32, #tpu.memory_space<hbm>> -> memref<5000x128xf32, #tpu.memory_space<hbm>>
        tpu.enqueue_indirect_dma source(%dma_start3A_213 : memref<5000x128xf32, #tpu.memory_space<hbm>>) target(%dma_start3A_209 : memref<5x128xf32, #tpu.memory_space<vmem>>) offsets(%dma_start3A_210 : memref<5xi32, #tpu.memory_space<vmem>>) semaphore(%arg13 : memref<!tpu.dma_semaphore, #tpu.memory_space<semaphore_mem>>)
      } else {
      }
      %add3A_142 = arith.addi %mul3A_2, %add3A_129 : i32
      %dma_wait3A_143 = arith.constant 0 : i32
      %dma_wait3A_144 = arith.constant 0 : i32
      %dma_wait3A_145 = tpu.memref_slice %arg6[%add3A_142, %dma_wait3A_143, %dma_wait3A_144] : memref<1024x200x128xf32, #tpu.memory_space<hbm>> -> memref<1x200x128xf32, #tpu.memory_space<hbm>>
      %dma_wait3A_146 = tpu.memref_squeeze %dma_wait3A_145 : memref<1x200x128xf32, #tpu.memory_space<hbm>> -> memref<200x128xf32, #tpu.memory_space<hbm>>
      %dma_wait3A_147 = arith.constant 0 : i32
      %dma_wait3A_148 = arith.constant 0 : i32
      %dma_wait3A_149 = tpu.memref_slice %arg6[%add3A_142, %dma_wait3A_147, %dma_wait3A_148] : memref<1024x200x128xf32, #tpu.memory_space<hbm>> -> memref<1x200x128xf32, #tpu.memory_space<hbm>>
      %dma_wait3A_150 = tpu.memref_squeeze %dma_wait3A_149 : memref<1x200x128xf32, #tpu.memory_space<hbm>> -> memref<200x128xf32, #tpu.memory_space<hbm>>
      tpu.wait_dma2 semaphore(%arg15 : memref<!tpu.dma_semaphore, #tpu.memory_space<semaphore_mem>>) src(%dma_wait3A_150 : memref<200x128xf32, #tpu.memory_space<hbm>>) dst(%arg11 : memref<200x128xf32, #tpu.memory_space<vmem>>)
      %add3A_151 = arith.addi %mul3A_2, %add3A_129 : i32
      %dma_start3A_152 = arith.constant 0 : i32
      %dma_start3A_153 = arith.constant 0 : i32
      %dma_start3A_154 = tpu.memref_slice %arg6[%add3A_151, %dma_start3A_152, %dma_start3A_153] : memref<1024x200x128xf32, #tpu.memory_space<hbm>> -> memref<1x200x128xf32, #tpu.memory_space<hbm>>
      %dma_start3A_155 = tpu.memref_squeeze %dma_start3A_154 : memref<1x200x128xf32, #tpu.memory_space<hbm>> -> memref<200x128xf32, #tpu.memory_space<hbm>>
      %dma_start3A_156 = arith.constant 0 : i32
      %dma_start3A_157 = arith.constant 0 : i32
      %dma_start3A_158 = tpu.memref_slice %arg6[%add3A_151, %dma_start3A_156, %dma_start3A_157] : memref<1024x200x128xf32, #tpu.memory_space<hbm>> -> memref<1x200x128xf32, #tpu.memory_space<hbm>>
      %dma_start3A_159 = tpu.memref_squeeze %dma_start3A_158 : memref<1x200x128xf32, #tpu.memory_space<hbm>> -> memref<200x128xf32, #tpu.memory_space<hbm>>
      tpu.enqueue_dma source(%arg11 : memref<200x128xf32, #tpu.memory_space<vmem>>) target(%dma_start3A_159 : memref<200x128xf32, #tpu.memory_space<hbm>>) target_semaphore(%arg19 : memref<!tpu.dma_semaphore, #tpu.memory_space<semaphore_mem>>)
      %mul3A_160 = arith.constant 4 : i32
      %mul3A_161 = arith.muli %mul3A_160, %scan3A_61 : i32
      %add3A_162 = arith.constant 3 : i32
      %add3A_163 = arith.addi %mul3A_161, %add3A_162 : i32
      %ge3A_164 = arith.constant 2 : i32
      %ge3A_165 = arith.cmpi sge, %add3A_163, %ge3A_164 : i32
      %convert_element_type3A_166 = arith.extui %ge3A_165 : i1 to i32
      %cond3A_167 = arith.constant 0 : i32
      %cond3A_168 = arith.cmpi ne, %convert_element_type3A_166, %cond3A_167 : i32
      scf.if %cond3A_168 {
        %sub3A = arith.constant 2 : i32
        %sub3A_194 = arith.subi %add3A_163, %sub3A : i32
        %add3A_195 = arith.addi %mul3A_2, %sub3A_194 : i32
        %dma_wait3A_196 = arith.constant 0 : i32
        %dma_wait3A_197 = arith.constant 0 : i32
        %dma_wait3A_198 = tpu.memref_slice %arg6[%add3A_195, %dma_wait3A_196, %dma_wait3A_197] : memref<1024x200x128xf32, #tpu.memory_space<hbm>> -> memref<1x200x128xf32, #tpu.memory_space<hbm>>
        %dma_wait3A_199 = tpu.memref_squeeze %dma_wait3A_198 : memref<1x200x128xf32, #tpu.memory_space<hbm>> -> memref<200x128xf32, #tpu.memory_space<hbm>>
        %dma_wait3A_200 = arith.constant 0 : i32
        %dma_wait3A_201 = arith.constant 0 : i32
        %dma_wait3A_202 = tpu.memref_slice %arg6[%add3A_195, %dma_wait3A_200, %dma_wait3A_201] : memref<1024x200x128xf32, #tpu.memory_space<hbm>> -> memref<1x200x128xf32, #tpu.memory_space<hbm>>
        %dma_wait3A_203 = tpu.memref_squeeze %dma_wait3A_202 : memref<1x200x128xf32, #tpu.memory_space<hbm>> -> memref<200x128xf32, #tpu.memory_space<hbm>>
        tpu.wait_dma2 semaphore(%arg18 : memref<!tpu.dma_semaphore, #tpu.memory_space<semaphore_mem>>) src(%arg10 : memref<200x128xf32, #tpu.memory_space<vmem>>) dst(%dma_wait3A_203 : memref<200x128xf32, #tpu.memory_space<hbm>>)
      } else {
      }
      %add3A_169 = arith.constant 2 : i32
      %add3A_170 = arith.addi %add3A_163, %add3A_169 : i32
      %lt3A_171 = arith.constant 32 : i32
      %lt3A_172 = arith.cmpi slt, %add3A_170, %lt3A_171 : i32
      %convert_element_type3A_173 = arith.extui %lt3A_172 : i1 to i32
      %cond3A_174 = arith.constant 0 : i32
      %cond3A_175 = arith.cmpi ne, %convert_element_type3A_173, %cond3A_174 : i32
      scf.if %cond3A_175 {
        %add3A_194 = arith.constant 2 : i32
        %add3A_195 = arith.addi %add3A_163, %add3A_194 : i32
        %mul3A_196 = arith.constant 200 : i32
        %mul3A_197 = arith.muli %add3A_195, %mul3A_196 : i32
        %dma_start3A_198 = arith.constant 0 : i32
        %dma_start3A_199 = arith.constant 0 : i32
        %dma_start3A_200 = tpu.memref_slice %arg10[%dma_start3A_198, %dma_start3A_199] : memref<200x128xf32, #tpu.memory_space<vmem>> -> memref<195x128xf32, #tpu.memory_space<vmem>>
        %dma_start3A_201 = tpu.memref_slice %arg7[%mul3A_197] : memref<6400xi32, #tpu.memory_space<vmem>> -> memref<195xi32, #tpu.memory_space<vmem>>
        %dma_start3A_202 = arith.constant 0 : i32
        %dma_start3A_203 = arith.constant 0 : i32
        %dma_start3A_204 = tpu.memref_slice %arg4[%dma_start3A_202, %dma_start3A_203] : memref<100000x128xf32, #tpu.memory_space<hbm>> -> memref<100000x128xf32, #tpu.memory_space<hbm>>
        tpu.enqueue_indirect_dma source(%dma_start3A_204 : memref<100000x128xf32, #tpu.memory_space<hbm>>) target(%dma_start3A_200 : memref<195x128xf32, #tpu.memory_space<vmem>>) offsets(%dma_start3A_201 : memref<195xi32, #tpu.memory_space<vmem>>) semaphore(%arg14 : memref<!tpu.dma_semaphore, #tpu.memory_space<semaphore_mem>>)
        %mul3A_205 = arith.constant 8 : i32
        %mul3A_206 = arith.muli %add3A_195, %mul3A_205 : i32
        %dma_start3A_207 = arith.constant 195 : i32
        %dma_start3A_208 = arith.constant 0 : i32
        %dma_start3A_209 = tpu.memref_slice %arg10[%dma_start3A_207, %dma_start3A_208] : memref<200x128xf32, #tpu.memory_space<vmem>> -> memref<5x128xf32, #tpu.memory_space<vmem>>
        %dma_start3A_210 = tpu.memref_slice %arg8[%mul3A_206] : memref<256xi32, #tpu.memory_space<vmem>> -> memref<5xi32, #tpu.memory_space<vmem>>
        %dma_start3A_211 = arith.constant 0 : i32
        %dma_start3A_212 = arith.constant 0 : i32
        %dma_start3A_213 = tpu.memref_slice %arg5[%dma_start3A_211, %dma_start3A_212] : memref<5000x128xf32, #tpu.memory_space<hbm>> -> memref<5000x128xf32, #tpu.memory_space<hbm>>
        tpu.enqueue_indirect_dma source(%dma_start3A_213 : memref<5000x128xf32, #tpu.memory_space<hbm>>) target(%dma_start3A_209 : memref<5x128xf32, #tpu.memory_space<vmem>>) offsets(%dma_start3A_210 : memref<5xi32, #tpu.memory_space<vmem>>) semaphore(%arg14 : memref<!tpu.dma_semaphore, #tpu.memory_space<semaphore_mem>>)
      } else {
      }
      %add3A_176 = arith.addi %mul3A_2, %add3A_163 : i32
      %dma_wait3A_177 = arith.constant 0 : i32
      %dma_wait3A_178 = arith.constant 0 : i32
      %dma_wait3A_179 = tpu.memref_slice %arg6[%add3A_176, %dma_wait3A_177, %dma_wait3A_178] : memref<1024x200x128xf32, #tpu.memory_space<hbm>> -> memref<1x200x128xf32, #tpu.memory_space<hbm>>
      %dma_wait3A_180 = tpu.memref_squeeze %dma_wait3A_179 : memref<1x200x128xf32, #tpu.memory_space<hbm>> -> memref<200x128xf32, #tpu.memory_space<hbm>>
      %dma_wait3A_181 = arith.constant 0 : i32
      %dma_wait3A_182 = arith.constant 0 : i32
      %dma_wait3A_183 = tpu.memref_slice %arg6[%add3A_176, %dma_wait3A_181, %dma_wait3A_182] : memref<1024x200x128xf32, #tpu.memory_space<hbm>> -> memref<1x200x128xf32, #tpu.memory_space<hbm>>
      %dma_wait3A_184 = tpu.memref_squeeze %dma_wait3A_183 : memref<1x200x128xf32, #tpu.memory_space<hbm>> -> memref<200x128xf32, #tpu.memory_space<hbm>>
      tpu.wait_dma2 semaphore(%arg16 : memref<!tpu.dma_semaphore, #tpu.memory_space<semaphore_mem>>) src(%dma_wait3A_184 : memref<200x128xf32, #tpu.memory_space<hbm>>) dst(%arg12 : memref<200x128xf32, #tpu.memory_space<vmem>>)
      %add3A_185 = arith.addi %mul3A_2, %add3A_163 : i32
      %dma_start3A_186 = arith.constant 0 : i32
      %dma_start3A_187 = arith.constant 0 : i32
      %dma_start3A_188 = tpu.memref_slice %arg6[%add3A_185, %dma_start3A_186, %dma_start3A_187] : memref<1024x200x128xf32, #tpu.memory_space<hbm>> -> memref<1x200x128xf32, #tpu.memory_space<hbm>>
      %dma_start3A_189 = tpu.memref_squeeze %dma_start3A_188 : memref<1x200x128xf32, #tpu.memory_space<hbm>> -> memref<200x128xf32, #tpu.memory_space<hbm>>
      %dma_start3A_190 = arith.constant 0 : i32
      %dma_start3A_191 = arith.constant 0 : i32
      %dma_start3A_192 = tpu.memref_slice %arg6[%add3A_185, %dma_start3A_190, %dma_start3A_191] : memref<1024x200x128xf32, #tpu.memory_space<hbm>> -> memref<1x200x128xf32, #tpu.memory_space<hbm>>
      %dma_start3A_193 = tpu.memref_squeeze %dma_start3A_192 : memref<1x200x128xf32, #tpu.memory_space<hbm>> -> memref<200x128xf32, #tpu.memory_space<hbm>>
      tpu.enqueue_dma source(%arg12 : memref<200x128xf32, #tpu.memory_space<vmem>>) target(%dma_start3A_193 : memref<200x128xf32, #tpu.memory_space<hbm>>) target_semaphore(%arg20 : memref<!tpu.dma_semaphore, #tpu.memory_space<semaphore_mem>>)
    }
    %scan3A_41 = arith.constant 8 : i32
    %add3A_42 = arith.constant 30 : i32
    %add3A_43 = arith.addi %mul3A_2, %add3A_42 : i32
    %dma_wait3A = arith.constant 0 : i32
    %dma_wait3A_44 = arith.constant 0 : i32
    %dma_wait3A_45 = tpu.memref_slice %arg6[%add3A_43, %dma_wait3A, %dma_wait3A_44] : memref<1024x200x128xf32, #tpu.memory_space<hbm>> -> memref<1x200x128xf32, #tpu.memory_space<hbm>>
    %dma_wait3A_46 = tpu.memref_squeeze %dma_wait3A_45 : memref<1x200x128xf32, #tpu.memory_space<hbm>> -> memref<200x128xf32, #tpu.memory_space<hbm>>
    %dma_wait3A_47 = arith.constant 0 : i32
    %dma_wait3A_48 = arith.constant 0 : i32
    %dma_wait3A_49 = tpu.memref_slice %arg6[%add3A_43, %dma_wait3A_47, %dma_wait3A_48] : memref<1024x200x128xf32, #tpu.memory_space<hbm>> -> memref<1x200x128xf32, #tpu.memory_space<hbm>>
    %dma_wait3A_50 = tpu.memref_squeeze %dma_wait3A_49 : memref<1x200x128xf32, #tpu.memory_space<hbm>> -> memref<200x128xf32, #tpu.memory_space<hbm>>
    tpu.wait_dma2 semaphore(%arg19 : memref<!tpu.dma_semaphore, #tpu.memory_space<semaphore_mem>>) src(%arg11 : memref<200x128xf32, #tpu.memory_space<vmem>>) dst(%dma_wait3A_50 : memref<200x128xf32, #tpu.memory_space<hbm>>)
    %add3A_51 = arith.constant 31 : i32
    %add3A_52 = arith.addi %mul3A_2, %add3A_51 : i32
    %dma_wait3A_53 = arith.constant 0 : i32
    %dma_wait3A_54 = arith.constant 0 : i32
    %dma_wait3A_55 = tpu.memref_slice %arg6[%add3A_52, %dma_wait3A_53, %dma_wait3A_54] : memref<1024x200x128xf32, #tpu.memory_space<hbm>> -> memref<1x200x128xf32, #tpu.memory_space<hbm>>
    %dma_wait3A_56 = tpu.memref_squeeze %dma_wait3A_55 : memref<1x200x128xf32, #tpu.memory_space<hbm>> -> memref<200x128xf32, #tpu.memory_space<hbm>>
    %dma_wait3A_57 = arith.constant 0 : i32
    %dma_wait3A_58 = arith.constant 0 : i32
    %dma_wait3A_59 = tpu.memref_slice %arg6[%add3A_52, %dma_wait3A_57, %dma_wait3A_58] : memref<1024x200x128xf32, #tpu.memory_space<hbm>> -> memref<1x200x128xf32, #tpu.memory_space<hbm>>
    %dma_wait3A_60 = tpu.memref_squeeze %dma_wait3A_59 : memref<1x200x128xf32, #tpu.memory_space<hbm>> -> memref<200x128xf32, #tpu.memory_space<hbm>>
    tpu.wait_dma2 semaphore(%arg20 : memref<!tpu.dma_semaphore, #tpu.memory_space<semaphore_mem>>) src(%arg12 : memref<200x128xf32, #tpu.memory_space<vmem>>) dst(%dma_wait3A_60 : memref<200x128xf32, #tpu.memory_space<hbm>>)
    return
  }
}

module attributes {stable_mosaic.version = 14 : i64} {
  func.func @_sample_body(%arg0: i32, %arg1: memref<1000x128xf32, #tpu.memory_space<vmem>>, %arg2: memref<1000x128xf32, #tpu.memory_space<vmem>>, %arg3: memref<1000x128xf32, #tpu.memory_space<vmem>>, %arg4: memref<1000x128xf32, #tpu.memory_space<vmem>>) attributes {dimension_semantics = [#tpu.dimension_semantics<arbitrary>], iteration_bounds = array<i64: 5>, scalar_prefetch = 0 : i64, scratch_operands = 0 : i64, tpu.core_type = #tpu.core_type<tc>, window_params = [{transform_indices = @transform_0, window_bounds = array<i64: 1000, 128>}, {transform_indices = @transform_1, window_bounds = array<i64: 1000, 128>}, {transform_indices = @transform_2, window_bounds = array<i64: 1000, 128>}, {transform_indices = @transform_3, window_bounds = array<i64: 1000, 128>}]} {
    %get3A = arith.constant 0 : index
    %get3A_0 = arith.constant 0 : index
    %get3A_1 = vector.load %arg1[%get3A, %get3A_0] : memref<1000x128xf32, #tpu.memory_space<vmem>>, vector<1000x128xf32>
    %get3A_2 = arith.constant 0 : index
    %get3A_3 = arith.constant 0 : index
    %get3A_4 = vector.load %arg2[%get3A_2, %get3A_3] : memref<1000x128xf32, #tpu.memory_space<vmem>>, vector<1000x128xf32>
    %get3A_5 = arith.constant 0 : index
    %get3A_6 = arith.constant 0 : index
    %get3A_7 = vector.load %arg3[%get3A_5, %get3A_6] : memref<1000x128xf32, #tpu.memory_space<vmem>>, vector<1000x128xf32>
    %mul3A = arith.mulf %get3A_4, %get3A_7 : vector<1000x128xf32>
    %add3A = arith.addf %get3A_1, %mul3A : vector<1000x128xf32>
    %swap3A = arith.constant 0 : index
    %swap3A_8 = arith.constant 0 : index
    %swap3A_9 = vector.load %arg4[%swap3A, %swap3A_8] : memref<1000x128xf32, #tpu.memory_space<vmem>>, vector<1000x128xf32>
    tpu.vector_store %arg4[%swap3A, %swap3A_8], %add3A {strides = array<i32>} : memref<1000x128xf32, #tpu.memory_space<vmem>>, vector<1000x128xf32>,
    return
  }
  func.func @transform_0(%arg0: i32) -> (i32, i32) {
    %c0_i32 = arith.constant 0 : i32
    %c0_i32_0 = arith.constant 0 : i32
    return %arg0, %c0_i32 : i32, i32
  }
  func.func @transform_1(%arg0: i32) -> (i32, i32) {
    %c0_i32 = arith.constant 0 : i32
    %c0_i32_0 = arith.constant 0 : i32
    return %arg0, %c0_i32 : i32, i32
  }
  func.func @transform_2(%arg0: i32) -> (i32, i32) {
    %c0_i32 = arith.constant 0 : i32
    %c0_i32_0 = arith.constant 0 : i32
    return %arg0, %c0_i32 : i32, i32
  }
  func.func @transform_3(%arg0: i32) -> (i32, i32) {
    %c0_i32 = arith.constant 0 : i32
    %c0_i32_0 = arith.constant 0 : i32
    return %arg0, %c0_i32 : i32, i32
  }
}

</mosaic_0001>

<sc_bundles>
// kernel: kernel.4.cloned.1.call-start
scs
__scs_entry_jumppad:
0x0: {  	(pc) =	sbr.rel $0x88, $3  }
0x1: {  	(tag) =	ssettag $0x0;
	lr =	simm.s32 $0x1  }
0x2: {  	[smem:$0x3F9D] =	sst lr;
	_ =	strace $0xD0000000  }
0x3: {  	_ = 	snop  }
0x4: {  	_ = 	snop  }
0x5: {  	_ = 	snop  }
0x6: {  	_ = 	snop  }
0x7: {  	_ = 	snop  }
__scs_overlays_trampoline_lowered:
0x8: {  	[smem:$0x3FAC] =	sst s0  }
0x9: {  	[smem:$0x3FAD] =	sst s1  }
0xa: {  	[smem:$0x3FAE] =	sst s2  }
0xb: {  	[smem:$0x3FAF] =	sst s3  }
0xc: {  	[smem:$0x3FB0] =	sst s4  }
0xd: {  	[smem:$0x3FB1] =	sst s5  }
0xe: {  	[smem:$0x3FB2] =	sst s6  }
0xf: {  	[smem:$0x3FB3] =	sst s7  }
0x10: {  	[smem:$0x3FB4] =	sst s8  }
0x11: {  	[smem:$0x3FB5] =	sst s9;
	s0 =	simm.s32 @!p0 $0x0  }
0x12: {  	s1 =	sld [smem:$0x3F9B];
	s0 =	simm.s32 @p0 $0x1  }
0x13: {  	[smem:$0x3FB6] =	sst s0;
	s0 =	simm.s32 @!p1 $0x0  }
0x14: {  	s2 =	sld [smem:$0x3F9A];
	s0 =	simm.s32 @p1 $0x1  }
0x15: {  	[smem:$0x3FB7] =	sst s0;
	s0 =	simm.s32 @!p2 $0x0  }
0x16: {  	s3 =	sld [smem:$0x3FDB];
	s0 =	simm.s32 @p2 $0x1  }
0x17: {  	s4 =	simm.s32 $0x1BF5;
	[smem:$0x3FB9] =	sst s0  }
0x18: {  	s0 =	sld [smem:$0x3F9C];
	_ =	swait.ge [sflag:s4], $0x0  }
0x19: {  	s7 =	sld [smem:$0x3F9D]  }
0x1a: {  	s8 =	sadd.s32 $0xFFFFE003, lr  }
0x1b: {  	s9 =	sadd.s32 $0xFFFFFEF7, lr;
	s5 =	simm.s32 $0xFFFFFFFF;
	p2 =	slt.u32 s8, $0xFFFFF086  }
0x1c: {  	p1 =	slt.u32 s9, $0xF7A;
	s5 =	simm.s32 @!p2 $0x0  }
0x1d: {  	s5 =	simm.s32 @p1 $0x1;
	p0 =	seq.s32 s7, s2  }
0x1e: {  	s7 =	smul.u32 @!p0 $0xF7A, s2;
	p2 =	seq.s32 @!p0 s5, $0x0  }
0x1f: {  	s9 =	smul.u32 $0xF7A, s1;
	s8 =	simm.s32 @!p0 $0x1BF5;
	p2 =	por !p2, p0  }
0x20: {  	[sflag:s8] =	ssyncset.s32 @!p0 $0xFFFFF086;
	s6 =	sadd.s32 @!p0 s3, s7;
	s7 =	simm.s32 @!p0 $0x108  }
0x21: {  	s3 =	sadd.s32 s3, s9;
	s6 =	sadd.s32 @!p0 $0x88, s6;
	s7 =	simm.s32 @p2 $0x1082  }
0x22: {  	[simem:s7], [sflag:s8] =	dma.local @!p0 [hbm:s6], $0xF7A  }
0x23: {  	s9 =	sor.u32 $0xD0000000, s2;
	s6 =	simm.s32 $0x108;
	_ =	swait.ge @!p0 [sflag:s8], $0x0  }
0x24: {  	s3 =	sadd.s32 $0x88, s3;
	s6 =	simm.s32 @!p1 $0x1082;
	[sflag:s4] =	ssyncset.s32 $0xFFFFF086  }
0x25: {  	[simem:s6], [sflag:s4] =	dma.local [hbm:s3], $0xF7A  }
0x26: {  	[smem:$0x3F9D] =	sst s1;
	(tag) =	ssettag s2;
	_ =	strace s9  }
0x27: {  	s1 =	sld [smem:$0x3FAD]  }
0x28: {  	s2 =	sld [smem:$0x3FAE]  }
0x29: {  	s4 =	sld [smem:$0x3FB0]  }
0x2a: {  	p0 =	seq.s32 s5, $0x0;
	s5 =	sld [smem:$0x3FB1]  }
0x2b: {  	s6 =	sld [smem:$0x3FB2]  }
0x2c: {  	s7 =	sld [smem:$0x3FB3]  }
0x2d: {  	s3 =	simm.s32 $0x108;
	s8 =	sld [smem:$0x3FB4]  }
0x2e: {  	s3 =	simm.s32 @!p0 $0x1082;
	s9 =	sld [smem:$0x3FB5]  }
0x2f: {  	lr =	sadd.s32 s0, s3;
	s0 =	sld [smem:$0x3FAC]  }
0x30: {  	s3 =	sld [smem:$0x3FAF]  }
0x31: {  	[smem:$0x3FB8] =	sst s10  }
0x32: {  	s10 =	sld [smem:$0x3FB6];
	_ =	sdelay $0x3  }
0x33: {  	p0 =	seq.s32 s10, $0x1;
	s10 =	sld [smem:$0x3FB8];
	_ =	sdelay $0x3  }
0x34: {  	[smem:$0x3FB8] =	sst s10  }
0x35: {  	s10 =	sld [smem:$0x3FB7];
	_ =	sdelay $0x3  }
0x36: {  	p1 =	seq.s32 s10, $0x1;
	s10 =	sld [smem:$0x3FB8];
	_ =	sdelay $0x3  }
0x37: {  	[smem:$0x3FB8] =	sst s10  }
0x38: {  	s10 =	sld [smem:$0x3FB9]  }
0x39: {  	_ = 	snop;
	(pc) =	sbr.ind lr, $3  }
0x3a: {  	_ = 	snop  }
0x3b: {  	_ = 	snop  }
0x3c: {  	p2 =	seq.s32 s10, $0x1;
	s10 =	sld [smem:$0x3FB8]  }
0x3d: {  	_ =	shalt  }
0x3e: {  	_ =	shalt  }
0x3f: {  	_ =	shalt  }
0x40: {  	_ =	shalt  }
0x41: {  	_ =	shalt  }
0x42: {  	_ =	shalt  }
0x43: {  	_ =	shalt  }
0x44: {  	_ =	shalt  }
0x45: {  	_ =	shalt  }
0x46: {  	_ =	shalt  }
0x47: {  	_ =	shalt  }
0x48: {  	_ =	shalt  }
0x49: {  	_ =	shalt  }
0x4a: {  	_ =	shalt  }
0x4b: {  	_ =	shalt  }
0x4c: {  	_ =	shalt  }
0x4d: {  	_ =	shalt  }
0x4e: {  	_ =	shalt  }
0x4f: {  	_ =	shalt  }
0x50: {  	_ =	shalt  }
0x51: {  	_ =	shalt  }
0x52: {  	_ =	shalt  }
0x53: {  	_ =	shalt  }
0x54: {  	_ =	shalt  }
0x55: {  	_ =	shalt  }
0x56: {  	_ =	shalt  }
0x57: {  	_ =	shalt  }
0x58: {  	_ =	shalt  }
0x59: {  	_ =	shalt  }
0x5a: {  	_ =	shalt  }
0x5b: {  	_ =	shalt  }
0x5c: {  	_ =	shalt  }
0x5d: {  	_ =	shalt  }
0x5e: {  	_ =	shalt  }
0x5f: {  	_ =	shalt  }
0x60: {  	_ =	shalt  }
0x61: {  	_ =	shalt  }
0x62: {  	_ =	shalt  }
0x63: {  	_ =	shalt  }
0x64: {  	_ =	shalt  }
0x65: {  	_ =	shalt  }
0x66: {  	_ =	shalt  }
0x67: {  	_ =	shalt  }
0x68: {  	_ =	shalt  }
0x69: {  	_ =	shalt  }
0x6a: {  	_ =	shalt  }
0x6b: {  	_ =	shalt  }
0x6c: {  	_ =	shalt  }
0x6d: {  	_ =	shalt  }
0x6e: {  	_ =	shalt  }
0x6f: {  	_ =	shalt  }
0x70: {  	_ =	shalt  }
0x71: {  	_ =	shalt  }
0x72: {  	_ =	shalt  }
0x73: {  	_ =	shalt  }
0x74: {  	_ =	shalt  }
0x75: {  	_ =	shalt  }
0x76: {  	_ =	shalt  }
0x77: {  	_ =	shalt  }
0x78: {  	_ =	shalt  }
0x79: {  	_ =	shalt  }
0x7a: {  	_ =	shalt  }
0x7b: {  	_ =	shalt  }
0x7c: {  	_ =	shalt  }
0x7d: {  	_ =	shalt  }
0x7e: {  	_ =	shalt  }
0x7f: {  	_ =	shalt  }
0x80: {  	_ =	shalt  }
0x81: {  	_ =	shalt  }
0x82: {  	_ =	shalt  }
0x83: {  	_ =	shalt  }
0x84: {  	_ =	shalt  }
0x85: {  	_ =	shalt  }
0x86: {  	_ =	shalt  }
0x87: {  	_ =	shalt  }
.Lfunc_end0:
.L_simem_size_0:
called_computation_lowered:
.L_overlay_start_0:
0x88: {  	s2 =	sld [smem:$0x3FD9]  }
0x89: {  	s3 =	sld [smem:$0x3FFE];
	_ =	sdelay $0x1  }
0x8a: {  	s1 =	srdreg.scid  }
0x8b: {  	s0 =	sand.u32 $0x1, s1  }
0x8c: {  	s17 =	sshll.u32 s0, $0xA;
	s2 =	sadd.s32 s3, s2  }
0x8d: {  	s2 =	sadd.s32 s2, s17  }
0x8e: {  	[smem:$0x3FC4] =	sst s2  }
0x8f: {  	_ = 	snop  }
0x90: {  	s2 =	sld [smem:$0x3FC8]  }
0x91: {  	s18 =	sld [smem:$0x3FD0];
	(tm) =	ssettm $0x1  }
0x92: {  	s4 =	sld [smem:$0x3FFB];
	_ =	sdelay $0x3  }
0x93: {  	_ =	strace s4  }
0x94: {  	s4 =	sld [smem:$0x3FFC];
	_ =	sdelay $0x3  }
0x95: {  	_ =	strace s4  }
0x96: {  	s4 =	sld [smem:$0x3FFD];
	_ =	sdelay $0x3  }
0x97: {  	_ =	strace s4  }
0x98: {  	_ =	strace $0x8FFFFFFF  }
0x99: {  	s19 =	sld [smem:$0x3FDB];
	_ =	sdelay $0x1  }
0x9a: {  	s5 =	simm.s32 $_scs_section_size  }
0x9b: {  	s6 =	simm.s32 $_size__tile_overlayer_lowered;
	s7 =	simm.s32 $_tile_overlayer_lowered  }
0x9c: {  	s22 =	simm.s32 $0x1BFF;
	s21 =	sshll.u32 s7, $0x1;
	s4 =	sadd.s32 s5, s19  }
0x9d: {  	s8 =	simm.s32 $0x0;
	s20 =	sshll.u32 s6, $0x1;
	s6 =	sadd.s32 s21, s4  }
0x9e: {  	[timem:s8], [sflag:s22] =	dma.local [hbm:s6], s20  }
0x9f: {  	_ =	swait.ge [sflag:s22], s20  }
0xa0: {  	s5 =	ssub.s32 $0x0, s20;
	[sflag:s22] =	ssyncset.done $0x0  }
0xa1: {  	[sflag:s22] =	ssyncadd.s32 s5;
	_ =	sdelay $0x1  }
0xa2: {  	s23 =	simm.s32 $0x1B8B  }
0xa3: {  	_ =	swait.ge [sflag:s23], $0x1  }
0xa4: {  	[sflag:s23] =	ssyncset.done $0x0  }
0xa5: {  	s25 =	simm.s32 $0x1B8E;
	s24 =	sld [smem:$0x3FFE];
	[sflag:s23] =	ssyncadd.s32 $0xFFFFFFFF  }
0xa6: {  	s26 =	simm.s32 $execute0_lowered;
	[smem:$0x3FD2] =	sst s25  }
0xa7: {  	s6 =	sshll.u32 s26, $0x1;
	_ =	strace $0x80000046;
	[dreg:$0x1] =	wrdreg $0xFFFFFFFF  }
0xa8: {  	s28 =	simm.s32 $_size_execute0_lowered;
	s4 =	sadd.s32 s4, s6;
	[dreg:$0x0] =	wrdreg $0x0  }
0xa9: {  	s6 =	sshll.u32 s28, $0x1;
	[dreg:$0x2] =	wrdreg s4  }
0xaa: {  	[dreg:$0x3] =	wrdreg s6  }
0xab: {  	[dreg:$0x4] =	wrdreg $0xC0  }
0xac: {  	_ =	task [dreg:s8], $0x5FFFF  }
0xad: {  	[dreg:$0x1] =	wrdreg $0xFFFFFFFF  }
0xae: {  	[dreg:$0x0] =	wrdreg $0x60  }
0xaf: {  	[dreg:$0x2] =	wrdreg s24  }
0xb0: {  	[dreg:$0x3] =	wrdreg s2  }
0xb1: {  	[dreg:$0x4] =	wrdreg s18  }
0xb2: {  	[dreg:$0x5] =	wrdreg $0x9  }
0xb3: {  	_ =	task.clear_ibuf [dreg:s8], $0x6FFFF;
	_ =	strace $0x90000046  }
0xb4: {  	s29 =	simm.s32 $0x9;
	_ =	strace $0x80000048  }
0xb5: {  	_ =	swait.ge [sflag:s29], $0x1  }
0xb6: {  	[sflag:s29] =	ssyncadd.s32 $0xFFFFFFFF  }
0xb7: {  	_ =	strace $0x90000048  }
0xb8: {  	_ =	sfence  }
0xb9: {  	s30 =	sld [smem:$0x0];
	_ =	sdelay $0x2  }
0xba: {  	s31 =	sshll.u32 s1, $0xD;
	s1 =	sshrl.u32 s1, $0x2  }
0xbb: {  	s3 =	sand.u32 $0x4000, s31;
	s1 =	sadd.s32 s1, s30  }
0xbc: {  	s0 =	sor.u32 s3, s0;
	s1 =	sshll.u32 s1, $0x11  }
0xbd: {  	s0 =	sor.u32 s1, s0  }
0xbe: {  	s0 =	sadd.s32 $0x8F2B, s0  }
0xbf: {  	[sflag:s0] =	ssyncadd.remote.s32 $0x1  }
0xc0: {  	_ =	sfence.sel $0xFFFF  }
0xc1: {  	[dreg:$0x0] =	wrdreg $0xFFFFFFFF;
	(pc) =	sbr.abs _section_cstart, $3  }
0xc2: {  	[dreg:$0x1] =	wrdreg $0xFFFFFFFF  }
0xc3: {  	_ =	task.clear_ibuf [dreg:s8], $0x2FFFF;
	_ =	strace $0x9FFFFFFF  }
0xc4: {  	(tm) =	ssettm $0x7FFFFFFF  }
0xc5: {  	_ =	shalt  }
tec
execute0_lowered:
.L_overlay_start_1:
0x0: {  	(tag) =	ssettag $0x1  }
0x1: {  	s0 =	rddreg [dreg:$0x0]  }
0x2: {  	s2 =	rddreg [dreg:$0x1];
	s1 =	srdreg.scid  }
0x3: {  	s7 =	stileid.u32;
	s5 =	rddreg [dreg:$0x2]  }
0x4: {  	s3 =	simm.s32 $0x0;
	s10 =	simm.s32 $0xC3;
	s11 =	simm.s32 $0x1A00  }
0x5: {  	s12 =	simm.s32 $0x5;
	s15 =	simm.s32 $0x7E00;
	s18 =	simm.s32 $0xE200  }
0x6: {  	s30 =	simm.s32 $0x14380;
	s19 =	simm.s32 $0x1;
	s31 =	simm.s32 $0x1A780  }
0x7: {  	s20 =	simm.s32 $0x14600;
	s21 =	simm.s32 $0x2;
	s22 =	simm.s32 $0x3  }
0x8: {  	s23 =	simm.s32 $0x6;
	s24 =	simm.s32 $0x4;
	s25 =	simm.s32 $0x7  }
0x9: {  	s1 =	sand.u32 $0x1, s1;
	s4 =	sshll.u32 s7, $0x1;
	[smem:$0x7FF] =	sst s3  }
0xa: {  	s7 =	smul.u32 $0x32000, s7;
	s4 =	sor.u32 s1, s4;
	_ =	strace $0x80000047  }
0xb: {  	s9 =	ssub.s32 $0x2, s1;
	s1 =	smul.u32 $0x19000, s1;
	[dreg:$0x5] =	wrdreg s30  }
0xc: {  	s28 =	simm.s32 $0x0;
	[dreg:$0x6] =	wrdreg s31;
	s6 =	smul.u32 $0x320, s4  }
0xd: {  	s4 =	sshll.u32 s4, $0x5;
	s26 =	sshrl.u32 s9, $0x1;
	s7 =	sadd.s32 s7, s5  }
0xe: {  	s8 =	sadd.s32 s4, s0;
	s4 =	sadd.s32 $0x7400, s0;
	s1 =	sadd.s32 s1, s7  }
0xf: {  	s6 =	sadd.s32 s6, s0;
	s0 =	ssub.s32 s9, s26;
	[dreg:$0x4] =	wrdreg s1  }
0x10: {  	s26 =	simm.s32 $0x8;
	s29 =	sadd.s32 $0x1000, s6;
	s6 =	sadd.s32 $0xC00, s8  }
0x11: {  	s7 =	smax.u32 s0, $0x1;
	s8 =	simm.s32 $0x9;
	[dreg:$0x7] =	wrdreg s29  }
.LBB2_1:
0x12: {  	s0 =	rddreg [dreg:$0x7]  }
0x13: {  	[tilespmem:s3], [sflag:$0x9] =	stream.linear.gather [hbm4b:s0+s3], $0x1900, $0x38;
	[tilespmem:$0x1AA00] =	vst v63  }
0x14: {  	_ =	swait.ge [sflag:s8], $0x1900  }
0x15: {  	[sflag:s8] =	ssyncset.done $0x0  }
0x16: {  	s13 =	simm.s32 $0x1900;
	[sflag:s8] =	ssyncadd.s32 $0xFFFFE700  }
0x17: {  	[tilespmem:s13], [sflag:$0x9] =	stream.linear.gather [hbm4b:s6+s3], $0x100, $0x38;
	[tilespmem:$0x1AA00] =	vst v63  }
0x18: {  	_ =	swait.ge [sflag:s8], $0x100  }
0x19: {  	[sflag:s8] =	ssyncset.done $0x0  }
0x1a: {  	[sflag:s8] =	ssyncadd.s32 $0xFFFFFF00  }
0x1b: {  	[tilespmem:s11], [sflag:$0x1] =	stream.indirect.gather [hbm4b:s2+s10], $0x80, s3, s10, $0xb8;
	[tilespmem:$0x1AA00] =	vst v63  }
0x1c: {  	s1 =	simm.s32 $0x7B80;
	p0 =	por $0x1, $0x1  }
0x1d: {  	[tilespmem:s1], [sflag:$0x1] =	stream.indirect.gather [hbm4b:s4+s12], $0x80, s13, s12, $0xb8;
	[tilespmem:$0x1AA00] =	vst v63  }
0x1e: {  	s14 =	simm.s32 $0xC8;
	p0 =	por p0, p0  }
0x1f: {  	[tilespmem:s15], [sflag:$0x2] =	stream.indirect.gather [hbm4b:s2+s10], $0x80, s14, s10, $0xb8;
	[tilespmem:$0x1AA00] =	vst v63  }
0x20: {  	s16 =	simm.s32 $0x1908;
	s17 =	simm.s32 $0xDF80;
	s0 =	simm.s32 @!p0 $0x7  }
0x21: {  	[tilespmem:s17], [sflag:$0x2] =	stream.indirect.gather [hbm4b:s4+s12], $0x80, s16, s12, $0xb8;
	[tilespmem:$0x1AA00] =	vst v63  }
0x22: {  	_ =	swait.ge @!p0 [sflag:s0], $0x6400  }
0x23: {  	[sflag:s0] =	ssyncset.done @!p0 $0x0  }
0x24: {  	s1 =	simm.s32 $0x190;
	[sflag:s0] =	ssyncadd.s32 @!p0 $0xFFFF9C00  }
0x25: {  	[tilespmem:s18], [sflag:$0x3] =	stream.indirect.gather [hbm4b:s2+s10], $0x80, s1, s10, $0xb8;
	[tilespmem:$0x1AA00] =	vst v63  }
0x26: {  	s9 =	simm.s32 $0x1910;
	s5 =	rddreg [dreg:$0x5]  }
0x27: {  	[tilespmem:s5], [sflag:$0x3] =	stream.indirect.gather [hbm4b:s4+s12], $0x80, s9, s12, $0xb8;
	[tilespmem:$0x1AA00] =	vst v63  }
0x28: {  	s29 =	rddreg [dreg:$0x4];
	_ =	swait.ge [sflag:s19], $0x6400  }
0x29: {  	[sflag:s19] =	ssyncset.done $0x0  }
0x2a: {  	s13 =	sadd.s32 $0x0, s29;
	s1 =	simm.s32 @!p0 $0x8;
	[sflag:s19] =	ssyncadd.s32 $0xFFFF9C00  }
0x2b: {  	[hbm4b:s13+s3] =	stream.linear.scatter [tilespmem:s11], [sflag:$0x5], $0x6400, $0x38;
	[tilespmem:$0x1AA00] =	vst v63  }
0x2c: {  	_ =	swait.ge @!p0 [sflag:s1], $0x6400  }
0x2d: {  	[sflag:s1] =	ssyncset.done @!p0 $0x0  }
0x2e: {  	s29 =	simm.s32 $0x258;
	[sflag:s1] =	ssyncadd.s32 @!p0 $0xFFFF9C00  }
0x2f: {  	[tilespmem:s20], [sflag:$0x4] =	stream.indirect.gather [hbm4b:s2+s10], $0x80, s29, s10, $0xb8;
	[tilespmem:$0x1AA00] =	vst v63  }
0x30: {  	s14 =	rddreg [dreg:$0x6];
	s29 =	simm.s32 $0x1918  }
0x31: {  	[tilespmem:s14], [sflag:$0x4] =	stream.indirect.gather [hbm4b:s4+s12], $0x80, s29, s12, $0xb8;
	[tilespmem:$0x1AA00] =	vst v63  }
0x32: {  	_ =	swait.ge [sflag:s21], $0x6400  }
0x33: {  	[sflag:s21] =	ssyncset.done $0x0  }
0x34: {  	s16 =	sadd.s32 $0xC80, s13;
	[sflag:s21] =	ssyncadd.s32 $0xFFFF9C00  }
0x35: {  	[hbm4b:s16+s3] =	stream.linear.scatter [tilespmem:s15], [sflag:$0x6], $0x6400, $0x38;
	[tilespmem:$0x1AA00] =	vst v63  }
0x36: {  	p0 =	por $0x0, $0x0;
	_ =	swait.ge [sflag:s12], $0x6400  }
0x37: {  	s1 =	simm.s32 @!p0 $0x320;
	[sflag:s12] =	ssyncset.done $0x0  }
0x38: {  	s30 =	simm.s32 @!p0 $0x1A00;
	s29 =	simm.s32 @!p0 $0xC3;
	[sflag:s12] =	ssyncadd.s32 $0xFFFF9C00  }
0x39: {  	[tilespmem:s30], [sflag:$0x1] =	stream.indirect.gather @!p0 [hbm4b:s2+s29], $0x80, s1, s29, $0xb8;
	[tilespmem:$0x1AA00] =	vst v63  }
0x3a: {  	s31 =	simm.s32 @!p0 $0x5;
	s1 =	simm.s32 @!p0 $0x7B80;
	s30 =	simm.s32 @!p0 $0x1920  }
0x3b: {  	[tilespmem:s1], [sflag:$0x1] =	stream.indirect.gather @!p0 [hbm4b:s4+s31], $0x80, s30, s31, $0xb8;
	[tilespmem:$0x1AA00] =	vst v63  }
0x3c: {  	_ =	swait.ge [sflag:s22], $0x6400  }
0x3d: {  	[sflag:s22] =	ssyncset.done $0x0  }
0x3e: {  	s17 =	sadd.s32 $0x1900, s13;
	[sflag:s22] =	ssyncadd.s32 $0xFFFF9C00  }
0x3f: {  	[hbm4b:s17+s3] =	stream.linear.scatter [tilespmem:s18], [sflag:$0x7], $0x6400, $0x38;
	[tilespmem:$0x1AA00] =	vst v63  }
0x40: {  	_ =	swait.ge [sflag:s23], $0x6400  }
0x41: {  	p6 =	por $0x0, $0x0;
	s0 =	sadd.s32 $0x2580, s13;
	[sflag:s23] =	ssyncset.done $0x0  }
0x42: {  	s1 =	simm.s32 @!p0 $0x3E8;
	s30 =	simm.s32 @!p0 $0x7E00;
	[sflag:s23] =	ssyncadd.s32 $0xFFFF9C00  }
0x43: {  	[tilespmem:s30], [sflag:$0x2] =	stream.indirect.gather @!p0 [hbm4b:s2+s29], $0x80, s1, s29, $0xb8;
	[tilespmem:$0x1AA00] =	vst v63  }
0x44: {  	s1 =	simm.s32 @!p0 $0x1928;
	s29 =	simm.s32 @!p0 $0xDF80;
	s30 =	simm.s32 $0x578  }
0x45: {  	[tilespmem:s29], [sflag:$0x2] =	stream.indirect.gather @!p0 [hbm4b:s4+s31], $0x80, s1, s31, $0xb8;
	[tilespmem:$0x1AA00] =	vst v63  }
0x46: {  	s31 =	simm.s32 $0x3200;
	s1 =	simm.s32 $0x6400;
	_ =	swait.ge [sflag:s24], $0x6400  }
0x47: {  	p0 =	por p6, p6;
	s29 =	simm.s32 $0x1938;
	[sflag:s24] =	ssyncset.done $0x0  }
.LBB2_2:
0x48: {  	s13 =	simm.s32 @!p0 $0x7;
	[sflag:s24] =	ssyncadd.s32 $0xFFFF9C00  }
0x49: {  	[hbm4b:s0+s3] =	stream.linear.scatter [tilespmem:s20], [sflag:$0x8], $0x6400, $0x38;
	[tilespmem:$0x1AA00] =	vst v63  }
0x4a: {  	_ =	swait.ge @!p0 [sflag:s13], $0x6400  }
0x4b: {  	[sflag:s13] =	ssyncset.done @!p0 $0x0  }
0x4c: {  	s16 =	sadd.s32 $0xFFFFFF38, s30;
	[sflag:s13] =	ssyncadd.s32 @!p0 $0xFFFF9C00  }
0x4d: {  	[tilespmem:s18], [sflag:$0x3] =	stream.indirect.gather [hbm4b:s2+s10], $0x80, s16, s10, $0xb8;
	[tilespmem:$0x1AA00] =	vst v63  }
0x4e: {  	s5 =	sadd.s32 $0xFFFFFFF8, s29;
	s17 =	rddreg [dreg:$0x5]  }
0x4f: {  	[tilespmem:s17], [sflag:$0x3] =	stream.indirect.gather [hbm4b:s4+s12], $0x80, s5, s12, $0xb8;
	[tilespmem:$0x1AA00] =	vst v63  }
0x50: {  	s16 =	rddreg [dreg:$0x4];
	_ =	swait.ge [sflag:s19], $0x6400  }
0x51: {  	[sflag:s19] =	ssyncset.done $0x0  }
0x52: {  	s13 =	simm.s32 @!p0 $0x8;
	s0 =	sadd.s32 s31, s16;
	[sflag:s19] =	ssyncadd.s32 $0xFFFF9C00  }
0x53: {  	[hbm4b:s0+s3] =	stream.linear.scatter [tilespmem:s11], [sflag:$0x5], $0x6400, $0x38;
	[tilespmem:$0x1AA00] =	vst v63  }
0x54: {  	_ =	swait.ge @!p0 [sflag:s13], $0x6400  }
0x55: {  	[sflag:s13] =	ssyncset.done @!p0 $0x0  }
0x56: {  	[sflag:s13] =	ssyncadd.s32 @!p0 $0xFFFF9C00  }
0x57: {  	[tilespmem:s20], [sflag:$0x4] =	stream.indirect.gather [hbm4b:s2+s10], $0x80, s30, s10, $0xb8;
	[tilespmem:$0x1AA00] =	vst v63  }
0x58: {  	s9 =	rddreg [dreg:$0x6]  }
0x59: {  	[tilespmem:s9], [sflag:$0x4] =	stream.indirect.gather [hbm4b:s4+s12], $0x80, s29, s12, $0xb8;
	[tilespmem:$0x1AA00] =	vst v63  }
0x5a: {  	_ =	swait.ge [sflag:s21], $0x6400  }
0x5b: {  	p2 =	seq.s32 s1, $0x0;
	[sflag:s21] =	ssyncset.done $0x0  }
0x5c: {  	s14 =	smov.u32 s1;
	s16 =	sadd.s32 $0xC80, s0;
	[sflag:s21] =	ssyncadd.s32 $0xFFFF9C00  }
0x5d: {  	[hbm4b:s16+s3] =	stream.linear.scatter [tilespmem:s15], [sflag:$0x6], $0x6400, $0x38;
	[tilespmem:$0x1AA00] =	vst v63  }
0x5e: {  	p0 =	por p2, p2;
	p2 =	seq.s32 s31, $0x15E00;
	_ =	swait.ge [sflag:s12], $0x6400  }
0x5f: {  	s31 =	smov.u32 s14;
	s13 =	sadd.s32 @!p2 $0xC8, s30;
	[sflag:s12] =	ssyncset.done $0x0  }
0x60: {  	s17 =	simm.s32 @!p2 $0x1A00;
	s16 =	simm.s32 @!p2 $0xC3;
	[sflag:s12] =	ssyncadd.s32 $0xFFFF9C00  }
0x61: {  	[tilespmem:s17], [sflag:$0x1] =	stream.indirect.gather @!p2 [hbm4b:s2+s16], $0x80, s13, s16, $0xb8;
	[tilespmem:$0x1AA00] =	vst v63  }
0x62: {  	s14 =	simm.s32 @!p2 $0x7B80;
	s5 =	sadd.s32 @!p2 $0x8, s29;
	s13 =	simm.s32 @!p2 $0x5  }
0x63: {  	[tilespmem:s14], [sflag:$0x1] =	stream.indirect.gather @!p2 [hbm4b:s4+s13], $0x80, s5, s13, $0xb8;
	[tilespmem:$0x1AA00] =	vst v63  }
0x64: {  	_ =	swait.ge [sflag:s22], $0x6400  }
0x65: {  	[sflag:s22] =	ssyncset.done $0x0  }
0x66: {  	s17 =	sadd.s32 $0x1900, s0;
	[sflag:s22] =	ssyncadd.s32 $0xFFFF9C00  }
0x67: {  	[hbm4b:s17+s3] =	stream.linear.scatter [tilespmem:s18], [sflag:$0x7], $0x6400, $0x38;
	[tilespmem:$0x1AA00] =	vst v63  }
0x68: {  	s1 =	sadd.s32 $0x3200, s1;
	_ =	swait.ge [sflag:s23], $0x6400  }
0x69: {  	p1 =	sne.s32 s1, $0x19000;
	[sflag:s23] =	ssyncset.done $0x0  }
0x6a: {  	s5 =	sadd.s32 @!p2 $0x190, s30;
	s14 =	simm.s32 @!p2 $0x7E00;
	[sflag:s23] =	ssyncadd.s32 $0xFFFF9C00  }
0x6b: {  	[tilespmem:s14], [sflag:$0x2] =	stream.indirect.gather @!p2 [hbm4b:s2+s16], $0x80, s5, s16, $0xb8;
	[tilespmem:$0x1AA00] =	vst v63  }
.Ltmp0:
0x6c: {  	_ = 	snop;
	(pc) =	sbr.rel @p1 .LBB2_2-.Ltmp0, $4  }
0x6d: {  	s9 =	simm.s32 @!p2 $0xDF80;
	s17 =	sadd.s32 @!p2 $0x10, s29  }
0x6e: {  	[tilespmem:s9], [sflag:$0x2] =	stream.indirect.gather @!p2 [hbm4b:s4+s13], $0x80, s17, s13, $0xb8;
	[tilespmem:$0x1AA00] =	vst v63  }
0x6f: {  	s0 =	sadd.s32 $0x2580, s0;
	_ =	swait.ge [sflag:s24], $0x6400  }
0x70: {  	s30 =	sadd.s32 $0x320, s30;
	s29 =	sadd.s32 $0x20, s29;
	[sflag:s24] =	ssyncset.done $0x0  }
0x71: {  	s1 =	simm.s32 @!p0 $0x7;
	[sflag:s24] =	ssyncadd.s32 $0xFFFF9C00  }
0x72: {  	[hbm4b:s0+s3] =	stream.linear.scatter [tilespmem:s20], [sflag:$0x8], $0x6400, $0x38;
	[tilespmem:$0x1AA00] =	vst v63  }
0x73: {  	_ =	swait.ge @!p0 [sflag:s1], $0x6400  }
0x74: {  	[sflag:s1] =	ssyncset.done @!p0 $0x0  }
0x75: {  	s5 =	sadd.s32 $0xFFFFFF38, s30;
	[sflag:s1] =	ssyncadd.s32 @!p0 $0xFFFF9C00  }
0x76: {  	[tilespmem:s18], [sflag:$0x3] =	stream.indirect.gather [hbm4b:s2+s10], $0x80, s5, s10, $0xb8;
	[tilespmem:$0x1AA00] =	vst v63  }
0x77: {  	s13 =	sadd.s32 $0xFFFFFFF8, s29;
	s9 =	rddreg [dreg:$0x5]  }
0x78: {  	[tilespmem:s9], [sflag:$0x3] =	stream.indirect.gather [hbm4b:s4+s12], $0x80, s13, s12, $0xb8;
	[tilespmem:$0x1AA00] =	vst v63  }
0x79: {  	s5 =	rddreg [dreg:$0x4];
	_ =	swait.ge [sflag:s19], $0x6400  }
0x7a: {  	[sflag:s19] =	ssyncset.done $0x0  }
0x7b: {  	s1 =	simm.s32 @!p0 $0x8;
	s14 =	sadd.s32 s31, s5;
	[sflag:s19] =	ssyncadd.s32 $0xFFFF9C00  }
0x7c: {  	[hbm4b:s14+s3] =	stream.linear.scatter [tilespmem:s11], [sflag:$0x5], $0x6400, $0x38;
	[tilespmem:$0x1AA00] =	vst v63  }
0x7d: {  	_ =	swait.ge @!p0 [sflag:s1], $0x6400  }
0x7e: {  	[sflag:s1] =	ssyncset.done @!p0 $0x0  }
0x7f: {  	[sflag:s1] =	ssyncadd.s32 @!p0 $0xFFFF9C00  }
0x80: {  	[tilespmem:s20], [sflag:$0x4] =	stream.indirect.gather [hbm4b:s2+s10], $0x80, s30, s10, $0xb8;
	[tilespmem:$0x1AA00] =	vst v63  }
0x81: {  	s16 =	rddreg [dreg:$0x6]  }
0x82: {  	[tilespmem:s16], [sflag:$0x4] =	stream.indirect.gather [hbm4b:s4+s12], $0x80, s29, s12, $0xb8;
	[tilespmem:$0x1AA00] =	vst v63  }
0x83: {  	_ =	swait.ge [sflag:s21], $0x6400  }
0x84: {  	[sflag:s21] =	ssyncset.done $0x0  }
0x85: {  	s17 =	sadd.s32 $0xC80, s14;
	[sflag:s21] =	ssyncadd.s32 $0xFFFF9C00  }
0x86: {  	[hbm4b:s17+s3] =	stream.linear.scatter [tilespmem:s15], [sflag:$0x6], $0x6400, $0x38;
	[tilespmem:$0x1AA00] =	vst v63  }
0x87: {  	p0 =	seq.s32 s31, $0x15E00;
	_ =	swait.ge [sflag:s12], $0x6400  }
0x88: {  	s1 =	sadd.s32 @!p0 $0xC8, s30;
	[sflag:s12] =	ssyncset.done $0x0  }
0x89: {  	s5 =	simm.s32 @!p0 $0xC3;
	s9 =	simm.s32 @!p0 $0x1A00;
	[sflag:s12] =	ssyncadd.s32 $0xFFFF9C00  }
0x8a: {  	[tilespmem:s9], [sflag:$0x1] =	stream.indirect.gather @!p0 [hbm4b:s2+s5], $0x80, s1, s5, $0xb8;
	[tilespmem:$0x1AA00] =	vst v63  }
0x8b: {  	s13 =	simm.s32 @!p0 $0x5;
	s1 =	simm.s32 @!p0 $0x7B80;
	s9 =	sadd.s32 @!p0 $0x8, s29  }
0x8c: {  	[tilespmem:s1], [sflag:$0x1] =	stream.indirect.gather @!p0 [hbm4b:s4+s13], $0x80, s9, s13, $0xb8;
	[tilespmem:$0x1AA00] =	vst v63  }
0x8d: {  	_ =	swait.ge [sflag:s22], $0x6400  }
0x8e: {  	[sflag:s22] =	ssyncset.done $0x0  }
0x8f: {  	s31 =	sadd.s32 $0x1900, s14;
	[sflag:s22] =	ssyncadd.s32 $0xFFFF9C00  }
0x90: {  	[hbm4b:s31+s3] =	stream.linear.scatter [tilespmem:s18], [sflag:$0x7], $0x6400, $0x38;
	[tilespmem:$0x1AA00] =	vst v63  }
0x91: {  	_ =	swait.ge [sflag:s23], $0x6400  }
0x92: {  	[sflag:s23] =	ssyncset.done $0x0  }
0x93: {  	s1 =	sadd.s32 @!p0 $0x190, s30;
	s9 =	simm.s32 @!p0 $0x7E00;
	[sflag:s23] =	ssyncadd.s32 $0xFFFF9C00  }
0x94: {  	[tilespmem:s9], [sflag:$0x2] =	stream.indirect.gather @!p0 [hbm4b:s2+s5], $0x80, s1, s5, $0xb8;
	[tilespmem:$0x1AA00] =	vst v63  }
0x95: {  	s1 =	sadd.s32 @!p0 $0x10, s29;
	s5 =	simm.s32 @!p0 $0xDF80  }
0x96: {  	[tilespmem:s5], [sflag:$0x2] =	stream.indirect.gather @!p0 [hbm4b:s4+s13], $0x80, s1, s13, $0xb8;
	[tilespmem:$0x1AA00] =	vst v63  }
0x97: {  	_ =	swait.ge [sflag:s24], $0x6400  }
0x98: {  	[sflag:s24] =	ssyncset.done $0x0  }
0x99: {  	s28 =	sadd.s32 $0x1, s28;
	s0 =	sadd.s32 $0x2580, s14;
	[sflag:s24] =	ssyncadd.s32 $0xFFFF9C00  }
0x9a: {  	[hbm4b:s0+s3] =	stream.linear.scatter [tilespmem:s20], [sflag:$0x8], $0x6400, $0x38;
	[tilespmem:$0x1AA00] =	vst v63  }
0x9b: {  	p0 =	sne.s32 s28, s7;
	_ =	swait.ge [sflag:s25], $0x6400  }
.Ltmp1:
0x9c: {  	[sflag:s25] =	ssyncset.done $0x0;
	(pc) =	sbr.rel @p0 .LBB2_1-.Ltmp1, $4  }
0x9d: {  	[sflag:s25] =	ssyncadd.s32 $0xFFFF9C00  }
0x9e: {  	_ =	swait.ge [sflag:s26], $0x6400  }
0x9f: {  	[sflag:s26] =	ssyncset.done $0x0  }
0xa0: {  	[sflag:s26] =	ssyncadd.s32 $0xFFFF9C00  }
0xa1: {  	_ =	sfence.sel $0x180000  }
0xa2: {  	[bflag:$0x0] =	sbarrier.arrive $0xFFFF  }
0xa3: {  	_ =	strace $0x90000047  }
0xa4: {  	s0 =	stileid.u32;
	[bflag:$0x2] =	sbarrier.arrive $0xFFFF  }
0xa5: {  	p0 =	sne.s32 s0, $0x0;
	s0 =	rddreg [dreg:$0x3]  }
0xa6: {  	s0 =	sadd.s32 @!p0 $0x100000, s0  }
0xa7: {  	[sflag:s0] =	ssyncadd.tile.s32 @!p0 $0x1;
	_ =	shalt  }
.Lfunc_end2:
_tile_overlayer_lowered:
.L_overlay_start_2:
0xa8: {  	(tag) =	ssettag $0x2  }
0xa9: {  	s0 =	rddreg [dreg:$0x0];
	s2 =	stileid.u32  }
0xaa: {  	s1 =	rddreg [dreg:$0x1];
	p0 =	sne.s32 s2, $0x0  }
0xab: {  	s3 =	rddreg [dreg:$0x2];
	[bflag:$0x3] =	sbarrier.arrive $0xFFFF;
	s2 =	simm.s32 @!p0 $0x1C09  }
0xac: {  	[timem:s3], [sflag:s2] =	dma.local @!p0 [hbm:s0], s1  }
0xad: {  	s0 =	simm.s32 @!p0 $0x9  }
0xae: {  	_ =	swait.ge @!p0 [sflag:s0], s1  }
0xaf: {  	s1 =	ssub.s32 @!p0 $0x0, s1;
	[sflag:s0] =	ssyncset.done @!p0 $0x0  }
0xb0: {  	[sflag:s0] =	ssyncadd.s32 @!p0 s1  }
0xb1: {  	[bflag:$0x3] =	sbarrier.arrive $0xFFFF  }
0xb2: {  	_ =	shalt  }

</sc_bundles>
